<compile_context>
chip_gen: v7x
topology: tpu7x:2x2x1
jax: 0.10.2.dev20260603
libtpu: 0.0.44.dev20260713+nightly
codegen_flags: <defaults>
</compile_context>

<pallas_src>
import functools
import math

import jax
import jax.numpy as jnp
from jax import lax
from jax.experimental import pallas as pl
from jax.experimental.pallas import tpu as pltpu
from jax.experimental.pallas import tpu_sc as plsc

D_MODEL = 128
_SCALE = math.sqrt(128.0)

_NC = 2
_NS = 16
_NW = _NC * _NS
_LANES = 16

_CHUNK = 128
_NBUF = 5
_LEAD = 2


def _sc_embed(x32, table):
    nw, nchunk, chunk = x32.shape
    _, d = table.shape
    b = nw * nchunk * chunk
    assert nchunk % _NBUF == 0

    mesh = plsc.VectorSubcoreMesh(core_axis_name="c", subcore_axis_name="s")

    @functools.partial(
        pl.kernel,
        mesh=mesh,
        out_type=jax.ShapeDtypeStruct((b, d), jnp.float32),
        scratch_types=[
            pltpu.VMEM((nchunk, chunk), jnp.int32),
            pltpu.VMEM((_NBUF, chunk, d), jnp.float32),
            pltpu.SemaphoreType.DMA((_NBUF,)),
            pltpu.SemaphoreType.DMA((_NBUF,)),
        ],
    )
    def run(x_hbm, table_hbm, out_hbm, idx_v, rows_v, sem_g, sem_o):
        wid = lax.axis_index("s") * _NC + lax.axis_index("c")
        base = wid * (nchunk * chunk)
        pltpu.sync_copy(x_hbm.at[wid], idx_v)

        def g_copy(j, buf):
            return pltpu.make_async_copy(
                table_hbm.at[idx_v.at[j]], rows_v.at[buf], sem_g.at[buf])

        def o_copy(j, buf):
            return pltpu.make_async_copy(
                rows_v.at[buf], out_hbm.at[pl.ds(base + j * chunk, chunk)],
                sem_o.at[buf])

        for buf in range(_LEAD):
            g_copy(buf, buf).start()

        def outer(t, carry):
            j0 = t * _NBUF
            for bb in range(_NBUF):
                j = j0 + bb
                bg = (bb + _LEAD) % _NBUF

                @pl.when(j + _LEAD < nchunk)
                def _():
                    @pl.when(j >= _NBUF - _LEAD)
                    def _():
                        o_copy(j - (_NBUF - _LEAD), bg).wait()

                    g_copy(j + _LEAD, bg).start()

                g_copy(j, bb).wait()

                def scale_row(i, c2, bb=bb):
                    for grp in range(d // _LANES):
                        sl = pl.ds(grp * _LANES, _LANES)
                        rows_v[bb, i, sl] = rows_v[bb, i, sl] * _SCALE
                    return c2

                lax.fori_loop(0, chunk, scale_row, 0)
                o_copy(j, bb).start()
            return carry

        lax.fori_loop(0, nchunk // _NBUF, outer, 0)

        for bb in range(_NBUF):
            o_copy(nchunk - _NBUF + bb, bb).wait()

    return run(x32, table)


def kernel(x, table):
    bsz, hist = x.shape
    b = bsz * hist
    x32 = x.reshape(_NW, b // (_NW * _CHUNK), _CHUNK).astype(jnp.int32)
    out = _sc_embed(x32, table.astype(jnp.float32))
    return out.reshape(bsz, hist, D_MODEL)

# --- scband reference (transcript-rebuilt; emitter-appended) ---
"""Pipeline reference for scband-embedding-11836929868605 (READ-ONLY COPY).

The authoritative reference and input builder live on the scoring server;
editing this copy changes nothing except your own understanding.
"""

import math
import jax, jax.numpy as jnp
import numpy as np

D_MODEL = 128
NUM_VOCAB = 100000
BATCH = 4096
HIST = 50

def setup_inputs(seed: int = 0) -> dict:
    key = jax.random.key(seed)
    k1, k2 = jax.random.split(key)
    x = jax.random.randint(k1, (BATCH, HIST), 0, NUM_VOCAB, dtype=jnp.int64 if jax.config.jax_enable_x64 else jnp.int32)
    table = jax.random.normal(k2, (NUM_VOCAB, D_MODEL), dtype=jnp.float32)
    return {"x": x, "table": table}

def reference(x, table):
    # Faithful translation of: self.lut(x) * math.sqrt(self.d_model)
    emb = jnp.take(table, x, axis=0)
    return emb * math.sqrt(D_MODEL)

if __name__ == "__main__":
    import jax
    _d = setup_inputs()
    print(jax.jit(kernel)(*tuple(_d.values())))

</pallas_src>

<mosaic_0001>
#map = affine_map<(d0, d1) -> (0, 0, 0)>
#map1 = affine_map<(d0, d1) -> (0, 0)>
module attributes {stable_mosaic.version = 14 : i64} {
  func.func @run(%arg0: i32, %arg1: i32, %arg2: memref<32x50x128xi32, #tpu.memory_space<hbm>>, %arg3: memref<100000x128xf32, #tpu.memory_space<hbm>>, %arg4: memref<204800x128xf32, #tpu.memory_space<hbm>>, %arg5: memref<50x128xi32, #tpu.memory_space<vmem>>, %arg6: memref<5x128x128xf32, #tpu.memory_space<vmem>>, %arg7: memref<5x!tpu.dma_semaphore, #tpu.memory_space<semaphore_mem>>, %arg8: memref<5x!tpu.dma_semaphore, #tpu.memory_space<semaphore_mem>>) attributes {dimension_semantics = [#tpu.dimension_semantics<core_parallel>, #tpu.dimension_semantics<subcore_parallel>], iteration_bounds = array<i64: 2, 16>, scalar_prefetch = 0 : i64, scratch_operands = 4 : i64, tpu.core_type = #tpu.core_type<sc_vector_subcore>, window_params = [{transform_indices = #map}, {transform_indices = #map1}, {transform_indices = #map1}]} {
    %mul3A = arith.constant 2 : i32
    %mul3A_0 = arith.muli %arg1, %mul3A : i32
    %add3A = arith.addi %mul3A_0, %arg0 : i32
    %mul3A_1 = arith.constant 6400 : i32
    %mul3A_2 = arith.muli %add3A, %mul3A_1 : i32
    "tpu.region"() ({
      %run_scoped3A = tpu.sem_alloc : memref<!tpu.dma_semaphore, #tpu.memory_space<semaphore_mem>>
      %dma_start3A_126 = arith.constant 0 : i32
      %dma_start3A_127 = arith.constant 0 : i32
      %dma_start3A_128 = tpu.memref_slice %arg2[%add3A, %dma_start3A_126, %dma_start3A_127] : memref<32x50x128xi32, #tpu.memory_space<hbm>> -> memref<1x50x128xi32, #tpu.memory_space<hbm>>
      %dma_start3A_129 = tpu.memref_squeeze %dma_start3A_128 : memref<1x50x128xi32, #tpu.memory_space<hbm>> -> memref<50x128xi32, #tpu.memory_space<hbm>>
      %dma_start3A_130 = arith.constant 0 : i32
      %dma_start3A_131 = arith.constant 0 : i32
      %dma_start3A_132 = tpu.memref_slice %arg2[%add3A, %dma_start3A_130, %dma_start3A_131] : memref<32x50x128xi32, #tpu.memory_space<hbm>> -> memref<1x50x128xi32, #tpu.memory_space<hbm>>
      %dma_start3A_133 = tpu.memref_squeeze %dma_start3A_132 : memref<1x50x128xi32, #tpu.memory_space<hbm>> -> memref<50x128xi32, #tpu.memory_space<hbm>>
      tpu.enqueue_dma source(%dma_start3A_133 : memref<50x128xi32, #tpu.memory_space<hbm>>) target(%arg5 : memref<50x128xi32, #tpu.memory_space<vmem>>) target_semaphore(%run_scoped3A : memref<!tpu.dma_semaphore, #tpu.memory_space<semaphore_mem>>)
      %dma_wait3A_134 = arith.constant 0 : i32
      %dma_wait3A_135 = arith.constant 0 : i32
      %dma_wait3A_136 = tpu.memref_slice %arg2[%add3A, %dma_wait3A_134, %dma_wait3A_135] : memref<32x50x128xi32, #tpu.memory_space<hbm>> -> memref<1x50x128xi32, #tpu.memory_space<hbm>>
      %dma_wait3A_137 = tpu.memref_squeeze %dma_wait3A_136 : memref<1x50x128xi32, #tpu.memory_space<hbm>> -> memref<50x128xi32, #tpu.memory_space<hbm>>
      %dma_wait3A_138 = arith.constant 0 : i32
      %dma_wait3A_139 = arith.constant 0 : i32
      %dma_wait3A_140 = tpu.memref_slice %arg2[%add3A, %dma_wait3A_138, %dma_wait3A_139] : memref<32x50x128xi32, #tpu.memory_space<hbm>> -> memref<1x50x128xi32, #tpu.memory_space<hbm>>
      %dma_wait3A_141 = tpu.memref_squeeze %dma_wait3A_140 : memref<1x50x128xi32, #tpu.memory_space<hbm>> -> memref<50x128xi32, #tpu.memory_space<hbm>>
      tpu.wait_dma2 semaphore(%run_scoped3A : memref<!tpu.dma_semaphore, #tpu.memory_space<semaphore_mem>>) src(%dma_wait3A_141 : memref<50x128xi32, #tpu.memory_space<hbm>>) dst(%arg5 : memref<50x128xi32, #tpu.memory_space<vmem>>)
      tpu.yield
    }) : () -> ()
    %dma_start3A = arith.constant 0 : i32
    %dma_start3A_3 = arith.constant 0 : i32
    %dma_start3A_4 = arith.constant 0 : i32
    %dma_start3A_5 = arith.constant 0 : i32
    %dma_start3A_6 = arith.constant 0 : i32
    %dma_start3A_7 = tpu.memref_slice %arg6[%dma_start3A_3, %dma_start3A_5, %dma_start3A_6] : memref<5x128x128xf32, #tpu.memory_space<vmem>> -> memref<1x128x128xf32, #tpu.memory_space<vmem>>
    %dma_start3A_8 = tpu.memref_squeeze %dma_start3A_7 : memref<1x128x128xf32, #tpu.memory_space<vmem>> -> memref<128x128xf32, #tpu.memory_space<vmem>>
    %dma_start3A_9 = arith.constant 0 : i32
    %dma_start3A_10 = tpu.memref_slice %arg5[%dma_start3A, %dma_start3A_9] : memref<50x128xi32, #tpu.memory_space<vmem>> -> memref<1x128xi32, #tpu.memory_space<vmem>>
    %dma_start3A_11 = tpu.memref_squeeze %dma_start3A_10 : memref<1x128xi32, #tpu.memory_space<vmem>> -> memref<128xi32, #tpu.memory_space<vmem>>
    %dma_start3A_12 = arith.constant 0 : i32
    %dma_start3A_13 = arith.constant 0 : i32
    %dma_start3A_14 = tpu.memref_slice %arg3[%dma_start3A_12, %dma_start3A_13] : memref<100000x128xf32, #tpu.memory_space<hbm>> -> memref<100000x128xf32, #tpu.memory_space<hbm>>
    %dma_start3A_15 = tpu.memref_slice %arg7[%dma_start3A_4] : memref<5x!tpu.dma_semaphore, #tpu.memory_space<semaphore_mem>> -> memref<1x!tpu.dma_semaphore, #tpu.memory_space<semaphore_mem>>
    %dma_start3A_16 = tpu.memref_squeeze %dma_start3A_15 : memref<1x!tpu.dma_semaphore, #tpu.memory_space<semaphore_mem>> -> memref<!tpu.dma_semaphore, #tpu.memory_space<semaphore_mem>>
    tpu.enqueue_indirect_dma source(%dma_start3A_14 : memref<100000x128xf32, #tpu.memory_space<hbm>>) target(%dma_start3A_8 : memref<128x128xf32, #tpu.memory_space<vmem>>) offsets(%dma_start3A_11 : memref<128xi32, #tpu.memory_space<vmem>>) semaphore(%dma_start3A_16 : memref<!tpu.dma_semaphore, #tpu.memory_space<semaphore_mem>>)
    %dma_start3A_17 = arith.constant 1 : i32
    %dma_start3A_18 = arith.constant 1 : i32
    %dma_start3A_19 = arith.constant 1 : i32
    %dma_start3A_20 = arith.constant 0 : i32
    %dma_start3A_21 = arith.constant 0 : i32
    %dma_start3A_22 = tpu.memref_slice %arg6[%dma_start3A_18, %dma_start3A_20, %dma_start3A_21] : memref<5x128x128xf32, #tpu.memory_space<vmem>> -> memref<1x128x128xf32, #tpu.memory_space<vmem>>
    %dma_start3A_23 = tpu.memref_squeeze %dma_start3A_22 : memref<1x128x128xf32, #tpu.memory_space<vmem>> -> memref<128x128xf32, #tpu.memory_space<vmem>>
    %dma_start3A_24 = arith.constant 0 : i32
    %dma_start3A_25 = tpu.memref_slice %arg5[%dma_start3A_17, %dma_start3A_24] : memref<50x128xi32, #tpu.memory_space<vmem>> -> memref<1x128xi32, #tpu.memory_space<vmem>>
    %dma_start3A_26 = tpu.memref_squeeze %dma_start3A_25 : memref<1x128xi32, #tpu.memory_space<vmem>> -> memref<128xi32, #tpu.memory_space<vmem>>
    %dma_start3A_27 = arith.constant 0 : i32
    %dma_start3A_28 = arith.constant 0 : i32
    %dma_start3A_29 = tpu.memref_slice %arg3[%dma_start3A_27, %dma_start3A_28] : memref<100000x128xf32, #tpu.memory_space<hbm>> -> memref<100000x128xf32, #tpu.memory_space<hbm>>
    %dma_start3A_30 = tpu.memref_slice %arg7[%dma_start3A_19] : memref<5x!tpu.dma_semaphore, #tpu.memory_space<semaphore_mem>> -> memref<1x!tpu.dma_semaphore, #tpu.memory_space<semaphore_mem>>
    %dma_start3A_31 = tpu.memref_squeeze %dma_start3A_30 : memref<1x!tpu.dma_semaphore, #tpu.memory_space<semaphore_mem>> -> memref<!tpu.dma_semaphore, #tpu.memory_space<semaphore_mem>>
    tpu.enqueue_indirect_dma source(%dma_start3A_29 : memref<100000x128xf32, #tpu.memory_space<hbm>>) target(%dma_start3A_23 : memref<128x128xf32, #tpu.memory_space<vmem>>) offsets(%dma_start3A_26 : memref<128xi32, #tpu.memory_space<vmem>>) semaphore(%dma_start3A_31 : memref<!tpu.dma_semaphore, #tpu.memory_space<semaphore_mem>>)
    %scan3A = arith.constant 0 : i32
    %scan3A_32 = arith.constant 0 : i32
    %scan3A_33 = arith.constant 10 : i32
    %scan3A_34 = arith.addi %scan3A_32, %scan3A_33 : i32
    %scan3A_35 = arith.constant 1 : i32
    scf.for %scan3A_126 = %scan3A_32 to %scan3A_34 step %scan3A_35  : i32 {
      %mul3A_127 = arith.constant 5 : i32
      %mul3A_128 = arith.muli %scan3A_126, %mul3A_127 : i32
      %add3A_129 = arith.constant 0 : i32
      %add3A_130 = arith.addi %mul3A_128, %add3A_129 : i32
      %add3A_131 = arith.constant 2 : i32
      %add3A_132 = arith.addi %add3A_130, %add3A_131 : i32
      %lt3A = arith.constant 50 : i32
      %lt3A_133 = arith.cmpi slt, %add3A_132, %lt3A : i32
      %convert_element_type3A = arith.extui %lt3A_133 : i1 to i32
      %cond3A = arith.constant 0 : i32
      %cond3A_134 = arith.cmpi ne, %convert_element_type3A, %cond3A : i32
      scf.if %cond3A_134 {
        %ge3A = arith.constant 3 : i32
        %ge3A_366 = arith.cmpi sge, %add3A_130, %ge3A : i32
        %convert_element_type3A_367 = arith.extui %ge3A_366 : i1 to i32
        %cond3A_368 = arith.constant 0 : i32
        %cond3A_369 = arith.cmpi ne, %convert_element_type3A_367, %cond3A_368 : i32
        scf.if %cond3A_369 {
          %sub3A = arith.constant 3 : i32
          %sub3A_386 = arith.subi %add3A_130, %sub3A : i32
          %mul3A_387 = arith.constant 128 : i32
          %mul3A_388 = arith.muli %sub3A_386, %mul3A_387 : i32
          %add3A_389 = arith.addi %mul3A_2, %mul3A_388 : i32
          %dma_wait3A_390 = arith.constant 2 : i32
          %dma_wait3A_391 = arith.constant 2 : i32
          %dma_wait3A_392 = arith.constant 0 : i32
          %dma_wait3A_393 = arith.constant 0 : i32
          %dma_wait3A_394 = tpu.memref_slice %arg6[%dma_wait3A_390, %dma_wait3A_392, %dma_wait3A_393] : memref<5x128x128xf32, #tpu.memory_space<vmem>> -> memref<1x128x128xf32, #tpu.memory_space<vmem>>
          %dma_wait3A_395 = tpu.memref_squeeze %dma_wait3A_394 : memref<1x128x128xf32, #tpu.memory_space<vmem>> -> memref<128x128xf32, #tpu.memory_space<vmem>>
          %dma_wait3A_396 = arith.constant 0 : i32
          %dma_wait3A_397 = tpu.memref_slice %arg4[%add3A_389, %dma_wait3A_396] : memref<204800x128xf32, #tpu.memory_space<hbm>> -> memref<128x128xf32, #tpu.memory_space<hbm>>
          %dma_wait3A_398 = tpu.memref_slice %arg8[%dma_wait3A_391] : memref<5x!tpu.dma_semaphore, #tpu.memory_space<semaphore_mem>> -> memref<1x!tpu.dma_semaphore, #tpu.memory_space<semaphore_mem>>
          %dma_wait3A_399 = tpu.memref_squeeze %dma_wait3A_398 : memref<1x!tpu.dma_semaphore, #tpu.memory_space<semaphore_mem>> -> memref<!tpu.dma_semaphore, #tpu.memory_space<semaphore_mem>>
          %dma_wait3A_400 = arith.constant 0 : i32
          %dma_wait3A_401 = tpu.memref_slice %arg4[%add3A_389, %dma_wait3A_400] : memref<204800x128xf32, #tpu.memory_space<hbm>> -> memref<128x128xf32, #tpu.memory_space<hbm>>
          %dma_wait3A_402 = arith.constant 0 : i32
          %dma_wait3A_403 = arith.constant 0 : i32
          %dma_wait3A_404 = tpu.memref_slice %arg6[%dma_wait3A_390, %dma_wait3A_402, %dma_wait3A_403] : memref<5x128x128xf32, #tpu.memory_space<vmem>> -> memref<1x128x128xf32, #tpu.memory_space<vmem>>
          %dma_wait3A_405 = tpu.memref_squeeze %dma_wait3A_404 : memref<1x128x128xf32, #tpu.memory_space<vmem>> -> memref<128x128xf32, #tpu.memory_space<vmem>>
          tpu.wait_dma2 semaphore(%dma_wait3A_399 : memref<!tpu.dma_semaphore, #tpu.memory_space<semaphore_mem>>) src(%dma_wait3A_405 : memref<128x128xf32, #tpu.memory_space<vmem>>) dst(%dma_wait3A_401 : memref<128x128xf32, #tpu.memory_space<hbm>>)
        } else {
        }
        %add3A_370 = arith.constant 2 : i32
        %add3A_371 = arith.addi %add3A_130, %add3A_370 : i32
        %dma_start3A_372 = arith.constant 2 : i32
        %dma_start3A_373 = arith.constant 2 : i32
        %dma_start3A_374 = arith.constant 0 : i32
        %dma_start3A_375 = arith.constant 0 : i32
        %dma_start3A_376 = tpu.memref_slice %arg6[%dma_start3A_372, %dma_start3A_374, %dma_start3A_375] : memref<5x128x128xf32, #tpu.memory_space<vmem>> -> memref<1x128x128xf32, #tpu.memory_space<vmem>>
        %dma_start3A_377 = tpu.memref_squeeze %dma_start3A_376 : memref<1x128x128xf32, #tpu.memory_space<vmem>> -> memref<128x128xf32, #tpu.memory_space<vmem>>
        %dma_start3A_378 = arith.constant 0 : i32
        %dma_start3A_379 = tpu.memref_slice %arg5[%add3A_371, %dma_start3A_378] : memref<50x128xi32, #tpu.memory_space<vmem>> -> memref<1x128xi32, #tpu.memory_space<vmem>>
        %dma_start3A_380 = tpu.memref_squeeze %dma_start3A_379 : memref<1x128xi32, #tpu.memory_space<vmem>> -> memref<128xi32, #tpu.memory_space<vmem>>
        %dma_start3A_381 = arith.constant 0 : i32
        %dma_start3A_382 = arith.constant 0 : i32
        %dma_start3A_383 = tpu.memref_slice %arg3[%dma_start3A_381, %dma_start3A_382] : memref<100000x128xf32, #tpu.memory_space<hbm>> -> memref<100000x128xf32, #tpu.memory_space<hbm>>
        %dma_start3A_384 = tpu.memref_slice %arg7[%dma_start3A_373] : memref<5x!tpu.dma_semaphore, #tpu.memory_space<semaphore_mem>> -> memref<1x!tpu.dma_semaphore, #tpu.memory_space<semaphore_mem>>
        %dma_start3A_385 = tpu.memref_squeeze %dma_start3A_384 : memref<1x!tpu.dma_semaphore, #tpu.memory_space<semaphore_mem>> -> memref<!tpu.dma_semaphore, #tpu.memory_space<semaphore_mem>>
        tpu.enqueue_indirect_dma source(%dma_start3A_383 : memref<100000x128xf32, #tpu.memory_space<hbm>>) target(%dma_start3A_377 : memref<128x128xf32, #tpu.memory_space<vmem>>) offsets(%dma_start3A_380 : memref<128xi32, #tpu.memory_space<vmem>>) semaphore(%dma_start3A_385 : memref<!tpu.dma_semaphore, #tpu.memory_space<semaphore_mem>>)
      } else {
      }
      %dma_wait3A_135 = arith.constant 0 : i32
      %dma_wait3A_136 = arith.constant 0 : i32
      %dma_wait3A_137 = arith.constant 0 : i32
      %dma_wait3A_138 = arith.constant 0 : i32
      %dma_wait3A_139 = tpu.memref_slice %arg6[%dma_wait3A_135, %dma_wait3A_137, %dma_wait3A_138] : memref<5x128x128xf32, #tpu.memory_space<vmem>> -> memref<1x128x128xf32, #tpu.memory_space<vmem>>
      %dma_wait3A_140 = tpu.memref_squeeze %dma_wait3A_139 : memref<1x128x128xf32, #tpu.memory_space<vmem>> -> memref<128x128xf32, #tpu.memory_space<vmem>>
      %dma_wait3A_141 = arith.constant 0 : i32
      %dma_wait3A_142 = tpu.memref_slice %arg5[%add3A_130, %dma_wait3A_141] : memref<50x128xi32, #tpu.memory_space<vmem>> -> memref<1x128xi32, #tpu.memory_space<vmem>>
      %dma_wait3A_143 = tpu.memref_squeeze %dma_wait3A_142 : memref<1x128xi32, #tpu.memory_space<vmem>> -> memref<128xi32, #tpu.memory_space<vmem>>
      %dma_wait3A_144 = arith.constant 0 : i32
      %dma_wait3A_145 = arith.constant 0 : i32
      %dma_wait3A_146 = tpu.memref_slice %arg3[%dma_wait3A_144, %dma_wait3A_145] : memref<100000x128xf32, #tpu.memory_space<hbm>> -> memref<100000x128xf32, #tpu.memory_space<hbm>>
      %dma_wait3A_147 = tpu.memref_slice %arg7[%dma_wait3A_136] : memref<5x!tpu.dma_semaphore, #tpu.memory_space<semaphore_mem>> -> memref<1x!tpu.dma_semaphore, #tpu.memory_space<semaphore_mem>>
      %dma_wait3A_148 = tpu.memref_squeeze %dma_wait3A_147 : memref<1x!tpu.dma_semaphore, #tpu.memory_space<semaphore_mem>> -> memref<!tpu.dma_semaphore, #tpu.memory_space<semaphore_mem>>
      tpu.wait_indirect_dma semaphore(%dma_wait3A_148 : memref<!tpu.dma_semaphore, #tpu.memory_space<semaphore_mem>>) src(%dma_wait3A_146 : memref<100000x128xf32, #tpu.memory_space<hbm>>) dst(%dma_wait3A_140 : memref<128x128xf32, #tpu.memory_space<vmem>>)
      %scan3A_149 = arith.constant 0 : i32
      %scan3A_150 = arith.constant 0 : i32
      %scan3A_151 = arith.constant 128 : i32
      %scan3A_152 = arith.addi %scan3A_150, %scan3A_151 : i32
      %scan3A_153 = arith.constant 1 : i32
      scf.for %scan3A_366 = %scan3A_150 to %scan3A_152 step %scan3A_153  : i32 {
        %get3A = arith.constant 0 : i32
        %get3A_367 = arith.index_cast %get3A : i32 to index
        %get3A_368 = arith.index_cast %scan3A_366 : i32 to index
        %get3A_369 = arith.constant 0 : index
        %get3A_370 = tpu.vector_load %arg6[%get3A_367, %get3A_368, %get3A_369] {strides = array<i32>} : memref<5x128x128xf32, #tpu.memory_space<vmem>>, vector<1x1x16xf32>,
        %get3A_371 = vector.shape_cast %get3A_370 : vector<1x1x16xf32> to vector<16xf32>
        %mul3A_372 = arith.constant 11.3137083 : f32
        %mul3A_373 = vector.broadcast %mul3A_372 : f32 to vector<16xf32>
        %mul3A_374 = arith.mulf %get3A_371, %mul3A_373 : vector<16xf32>
        %swap3A = arith.constant 0 : i32
        %swap3A_375 = arith.index_cast %swap3A : i32 to index
        %swap3A_376 = arith.index_cast %scan3A_366 : i32 to index
        %swap3A_377 = arith.constant 0 : index
        %swap3A_378 = tpu.vector_load %arg6[%swap3A_375, %swap3A_376, %swap3A_377] {strides = array<i32>} : memref<5x128x128xf32, #tpu.memory_space<vmem>>, vector<1x1x16xf32>,
        %swap3A_379 = vector.shape_cast %swap3A_378 : vector<1x1x16xf32> to vector<16xf32>
        %swap3A_380 = vector.shape_cast %mul3A_374 : vector<16xf32> to vector<1x1x16xf32>
        tpu.vector_store %arg6[%swap3A_375, %swap3A_376, %swap3A_377], %swap3A_380 {strides = array<i32>} : memref<5x128x128xf32, #tpu.memory_space<vmem>>, vector<1x1x16xf32>,
        %get3A_381 = arith.constant 0 : i32
        %get3A_382 = arith.index_cast %get3A_381 : i32 to index
        %get3A_383 = arith.index_cast %scan3A_366 : i32 to index
        %get3A_384 = arith.constant 16 : index
        %get3A_385 = tpu.vector_load %arg6[%get3A_382, %get3A_383, %get3A_384] {strides = array<i32>} : memref<5x128x128xf32, #tpu.memory_space<vmem>>, vector<1x1x16xf32>,
        %get3A_386 = vector.shape_cast %get3A_385 : vector<1x1x16xf32> to vector<16xf32>
        %mul3A_387 = arith.constant 11.3137083 : f32
        %mul3A_388 = vector.broadcast %mul3A_387 : f32 to vector<16xf32>
        %mul3A_389 = arith.mulf %get3A_386, %mul3A_388 : vector<16xf32>
        %swap3A_390 = arith.constant 0 : i32
        %swap3A_391 = arith.index_cast %swap3A_390 : i32 to index
        %swap3A_392 = arith.index_cast %scan3A_366 : i32 to index
        %swap3A_393 = arith.constant 16 : index
        %swap3A_394 = tpu.vector_load %arg6[%swap3A_391, %swap3A_392, %swap3A_393] {strides = array<i32>} : memref<5x128x128xf32, #tpu.memory_space<vmem>>, vector<1x1x16xf32>,
        %swap3A_395 = vector.shape_cast %swap3A_394 : vector<1x1x16xf32> to vector<16xf32>
        %swap3A_396 = vector.shape_cast %mul3A_389 : vector<16xf32> to vector<1x1x16xf32>
        tpu.vector_store %arg6[%swap3A_391, %swap3A_392, %swap3A_393], %swap3A_396 {strides = array<i32>} : memref<5x128x128xf32, #tpu.memory_space<vmem>>, vector<1x1x16xf32>,
        %get3A_397 = arith.constant 0 : i32
        %get3A_398 = arith.index_cast %get3A_397 : i32 to index
        %get3A_399 = arith.index_cast %scan3A_366 : i32 to index
        %get3A_400 = arith.constant 32 : index
        %get3A_401 = tpu.vector_load %arg6[%get3A_398, %get3A_399, %get3A_400] {strides = array<i32>} : memref<5x128x128xf32, #tpu.memory_space<vmem>>, vector<1x1x16xf32>,
        %get3A_402 = vector.shape_cast %get3A_401 : vector<1x1x16xf32> to vector<16xf32>
        %mul3A_403 = arith.constant 11.3137083 : f32
        %mul3A_404 = vector.broadcast %mul3A_403 : f32 to vector<16xf32>
        %mul3A_405 = arith.mulf %get3A_402, %mul3A_404 : vector<16xf32>
        %swap3A_406 = arith.constant 0 : i32
        %swap3A_407 = arith.index_cast %swap3A_406 : i32 to index
        %swap3A_408 = arith.index_cast %scan3A_366 : i32 to index
        %swap3A_409 = arith.constant 32 : index
        %swap3A_410 = tpu.vector_load %arg6[%swap3A_407, %swap3A_408, %swap3A_409] {strides = array<i32>} : memref<5x128x128xf32, #tpu.memory_space<vmem>>, vector<1x1x16xf32>,
        %swap3A_411 = vector.shape_cast %swap3A_410 : vector<1x1x16xf32> to vector<16xf32>
        %swap3A_412 = vector.shape_cast %mul3A_405 : vector<16xf32> to vector<1x1x16xf32>
        tpu.vector_store %arg6[%swap3A_407, %swap3A_408, %swap3A_409], %swap3A_412 {strides = array<i32>} : memref<5x128x128xf32, #tpu.memory_space<vmem>>, vector<1x1x16xf32>,
        %get3A_413 = arith.constant 0 : i32
        %get3A_414 = arith.index_cast %get3A_413 : i32 to index
        %get3A_415 = arith.index_cast %scan3A_366 : i32 to index
        %get3A_416 = arith.constant 48 : index
        %get3A_417 = tpu.vector_load %arg6[%get3A_414, %get3A_415, %get3A_416] {strides = array<i32>} : memref<5x128x128xf32, #tpu.memory_space<vmem>>, vector<1x1x16xf32>,
        %get3A_418 = vector.shape_cast %get3A_417 : vector<1x1x16xf32> to vector<16xf32>
        %mul3A_419 = arith.constant 11.3137083 : f32
        %mul3A_420 = vector.broadcast %mul3A_419 : f32 to vector<16xf32>
        %mul3A_421 = arith.mulf %get3A_418, %mul3A_420 : vector<16xf32>
        %swap3A_422 = arith.constant 0 : i32
        %swap3A_423 = arith.index_cast %swap3A_422 : i32 to index
        %swap3A_424 = arith.index_cast %scan3A_366 : i32 to index
        %swap3A_425 = arith.constant 48 : index
        %swap3A_426 = tpu.vector_load %arg6[%swap3A_423, %swap3A_424, %swap3A_425] {strides = array<i32>} : memref<5x128x128xf32, #tpu.memory_space<vmem>>, vector<1x1x16xf32>,
        %swap3A_427 = vector.shape_cast %swap3A_426 : vector<1x1x16xf32> to vector<16xf32>
        %swap3A_428 = vector.shape_cast %mul3A_421 : vector<16xf32> to vector<1x1x16xf32>
        tpu.vector_store %arg6[%swap3A_423, %swap3A_424, %swap3A_425], %swap3A_428 {strides = array<i32>} : memref<5x128x128xf32, #tpu.memory_space<vmem>>, vector<1x1x16xf32>,
        %get3A_429 = arith.constant 0 : i32
        %get3A_430 = arith.index_cast %get3A_429 : i32 to index
        %get3A_431 = arith.index_cast %scan3A_366 : i32 to index
        %get3A_432 = arith.constant 64 : index
        %get3A_433 = tpu.vector_load %arg6[%get3A_430, %get3A_431, %get3A_432] {strides = array<i32>} : memref<5x128x128xf32, #tpu.memory_space<vmem>>, vector<1x1x16xf32>,
        %get3A_434 = vector.shape_cast %get3A_433 : vector<1x1x16xf32> to vector<16xf32>
        %mul3A_435 = arith.constant 11.3137083 : f32
        %mul3A_436 = vector.broadcast %mul3A_435 : f32 to vector<16xf32>
        %mul3A_437 = arith.mulf %get3A_434, %mul3A_436 : vector<16xf32>
        %swap3A_438 = arith.constant 0 : i32
        %swap3A_439 = arith.index_cast %swap3A_438 : i32 to index
        %swap3A_440 = arith.index_cast %scan3A_366 : i32 to index
        %swap3A_441 = arith.constant 64 : index
        %swap3A_442 = tpu.vector_load %arg6[%swap3A_439, %swap3A_440, %swap3A_441] {strides = array<i32>} : memref<5x128x128xf32, #tpu.memory_space<vmem>>, vector<1x1x16xf32>,
        %swap3A_443 = vector.shape_cast %swap3A_442 : vector<1x1x16xf32> to vector<16xf32>
        %swap3A_444 = vector.shape_cast %mul3A_437 : vector<16xf32> to vector<1x1x16xf32>
        tpu.vector_store %arg6[%swap3A_439, %swap3A_440, %swap3A_441], %swap3A_444 {strides = array<i32>} : memref<5x128x128xf32, #tpu.memory_space<vmem>>, vector<1x1x16xf32>,
        %get3A_445 = arith.constant 0 : i32
        %get3A_446 = arith.index_cast %get3A_445 : i32 to index
        %get3A_447 = arith.index_cast %scan3A_366 : i32 to index
        %get3A_448 = arith.constant 80 : index
        %get3A_449 = tpu.vector_load %arg6[%get3A_446, %get3A_447, %get3A_448] {strides = array<i32>} : memref<5x128x128xf32, #tpu.memory_space<vmem>>, vector<1x1x16xf32>,
        %get3A_450 = vector.shape_cast %get3A_449 : vector<1x1x16xf32> to vector<16xf32>
        %mul3A_451 = arith.constant 11.3137083 : f32
        %mul3A_452 = vector.broadcast %mul3A_451 : f32 to vector<16xf32>
        %mul3A_453 = arith.mulf %get3A_450, %mul3A_452 : vector<16xf32>
        %swap3A_454 = arith.constant 0 : i32
        %swap3A_455 = arith.index_cast %swap3A_454 : i32 to index
        %swap3A_456 = arith.index_cast %scan3A_366 : i32 to index
        %swap3A_457 = arith.constant 80 : index
        %swap3A_458 = tpu.vector_load %arg6[%swap3A_455, %swap3A_456, %swap3A_457] {strides = array<i32>} : memref<5x128x128xf32, #tpu.memory_space<vmem>>, vector<1x1x16xf32>,
        %swap3A_459 = vector.shape_cast %swap3A_458 : vector<1x1x16xf32> to vector<16xf32>
        %swap3A_460 = vector.shape_cast %mul3A_453 : vector<16xf32> to vector<1x1x16xf32>
        tpu.vector_store %arg6[%swap3A_455, %swap3A_456, %swap3A_457], %swap3A_460 {strides = array<i32>} : memref<5x128x128xf32, #tpu.memory_space<vmem>>, vector<1x1x16xf32>,
        %get3A_461 = arith.constant 0 : i32
        %get3A_462 = arith.index_cast %get3A_461 : i32 to index
        %get3A_463 = arith.index_cast %scan3A_366 : i32 to index
        %get3A_464 = arith.constant 96 : index
        %get3A_465 = tpu.vector_load %arg6[%get3A_462, %get3A_463, %get3A_464] {strides = array<i32>} : memref<5x128x128xf32, #tpu.memory_space<vmem>>, vector<1x1x16xf32>,
        %get3A_466 = vector.shape_cast %get3A_465 : vector<1x1x16xf32> to vector<16xf32>
        %mul3A_467 = arith.constant 11.3137083 : f32
        %mul3A_468 = vector.broadcast %mul3A_467 : f32 to vector<16xf32>
        %mul3A_469 = arith.mulf %get3A_466, %mul3A_468 : vector<16xf32>
        %swap3A_470 = arith.constant 0 : i32
        %swap3A_471 = arith.index_cast %swap3A_470 : i32 to index
        %swap3A_472 = arith.index_cast %scan3A_366 : i32 to index
        %swap3A_473 = arith.constant 96 : index
        %swap3A_474 = tpu.vector_load %arg6[%swap3A_471, %swap3A_472, %swap3A_473] {strides = array<i32>} : memref<5x128x128xf32, #tpu.memory_space<vmem>>, vector<1x1x16xf32>,
        %swap3A_475 = vector.shape_cast %swap3A_474 : vector<1x1x16xf32> to vector<16xf32>
        %swap3A_476 = vector.shape_cast %mul3A_469 : vector<16xf32> to vector<1x1x16xf32>
        tpu.vector_store %arg6[%swap3A_471, %swap3A_472, %swap3A_473], %swap3A_476 {strides = array<i32>} : memref<5x128x128xf32, #tpu.memory_space<vmem>>, vector<1x1x16xf32>,
        %get3A_477 = arith.constant 0 : i32
        %get3A_478 = arith.index_cast %get3A_477 : i32 to index
        %get3A_479 = arith.index_cast %scan3A_366 : i32 to index
        %get3A_480 = arith.constant 112 : index
        %get3A_481 = tpu.vector_load %arg6[%get3A_478, %get3A_479, %get3A_480] {strides = array<i32>} : memref<5x128x128xf32, #tpu.memory_space<vmem>>, vector<1x1x16xf32>,
        %get3A_482 = vector.shape_cast %get3A_481 : vector<1x1x16xf32> to vector<16xf32>
        %mul3A_483 = arith.constant 11.3137083 : f32
        %mul3A_484 = vector.broadcast %mul3A_483 : f32 to vector<16xf32>
        %mul3A_485 = arith.mulf %get3A_482, %mul3A_484 : vector<16xf32>
        %swap3A_486 = arith.constant 0 : i32
        %swap3A_487 = arith.index_cast %swap3A_486 : i32 to index
        %swap3A_488 = arith.index_cast %scan3A_366 : i32 to index
        %swap3A_489 = arith.constant 112 : index
        %swap3A_490 = tpu.vector_load %arg6[%swap3A_487, %swap3A_488, %swap3A_489] {strides = array<i32>} : memref<5x128x128xf32, #tpu.memory_space<vmem>>, vector<1x1x16xf32>,
        %swap3A_491 = vector.shape_cast %swap3A_490 : vector<1x1x16xf32> to vector<16xf32>
        %swap3A_492 = vector.shape_cast %mul3A_485 : vector<16xf32> to vector<1x1x16xf32>
        tpu.vector_store %arg6[%swap3A_487, %swap3A_488, %swap3A_489], %swap3A_492 {strides = array<i32>} : memref<5x128x128xf32, #tpu.memory_space<vmem>>, vector<1x1x16xf32>,
      }
      %scan3A_154 = arith.constant 128 : i32
      %mul3A_155 = arith.constant 128 : i32
      %mul3A_156 = arith.muli %add3A_130, %mul3A_155 : i32
      %add3A_157 = arith.addi %mul3A_2, %mul3A_156 : i32
      %dma_start3A_158 = arith.constant 0 : i32
      %dma_start3A_159 = arith.constant 0 : i32
      %dma_start3A_160 = arith.constant 0 : i32
      %dma_start3A_161 = arith.constant 0 : i32
      %dma_start3A_162 = tpu.memref_slice %arg6[%dma_start3A_158, %dma_start3A_160, %dma_start3A_161] : memref<5x128x128xf32, #tpu.memory_space<vmem>> -> memref<1x128x128xf32, #tpu.memory_space<vmem>>
      %dma_start3A_163 = tpu.memref_squeeze %dma_start3A_162 : memref<1x128x128xf32, #tpu.memory_space<vmem>> -> memref<128x128xf32, #tpu.memory_space<vmem>>
      %dma_start3A_164 = arith.constant 0 : i32
      %dma_start3A_165 = tpu.memref_slice %arg4[%add3A_157, %dma_start3A_164] : memref<204800x128xf32, #tpu.memory_space<hbm>> -> memref<128x128xf32, #tpu.memory_space<hbm>>
      %dma_start3A_166 = tpu.memref_slice %arg8[%dma_start3A_159] : memref<5x!tpu.dma_semaphore, #tpu.memory_space<semaphore_mem>> -> memref<1x!tpu.dma_semaphore, #tpu.memory_space<semaphore_mem>>
      %dma_start3A_167 = tpu.memref_squeeze %dma_start3A_166 : memref<1x!tpu.dma_semaphore, #tpu.memory_space<semaphore_mem>> -> memref<!tpu.dma_semaphore, #tpu.memory_space<semaphore_mem>>
      %dma_start3A_168 = arith.constant 0 : i32
      %dma_start3A_169 = tpu.memref_slice %arg4[%add3A_157, %dma_start3A_168] : memref<204800x128xf32, #tpu.memory_space<hbm>> -> memref<128x128xf32, #tpu.memory_space<hbm>>
      %dma_start3A_170 = arith.constant 0 : i32
      %dma_start3A_171 = arith.constant 0 : i32
      %dma_start3A_172 = tpu.memref_slice %arg6[%dma_start3A_158, %dma_start3A_170, %dma_start3A_171] : memref<5x128x128xf32, #tpu.memory_space<vmem>> -> memref<1x128x128xf32, #tpu.memory_space<vmem>>
      %dma_start3A_173 = tpu.memref_squeeze %dma_start3A_172 : memref<1x128x128xf32, #tpu.memory_space<vmem>> -> memref<128x128xf32, #tpu.memory_space<vmem>>
      tpu.enqueue_dma source(%dma_start3A_173 : memref<128x128xf32, #tpu.memory_space<vmem>>) target(%dma_start3A_169 : memref<128x128xf32, #tpu.memory_space<hbm>>) target_semaphore(%dma_start3A_167 : memref<!tpu.dma_semaphore, #tpu.memory_space<semaphore_mem>>)
      %add3A_174 = arith.constant 1 : i32
      %add3A_175 = arith.addi %mul3A_128, %add3A_174 : i32
      %add3A_176 = arith.constant 2 : i32
      %add3A_177 = arith.addi %add3A_175, %add3A_176 : i32
      %lt3A_178 = arith.constant 50 : i32
      %lt3A_179 = arith.cmpi slt, %add3A_177, %lt3A_178 : i32
      %convert_element_type3A_180 = arith.extui %lt3A_179 : i1 to i32
      %cond3A_181 = arith.constant 0 : i32
      %cond3A_182 = arith.cmpi ne, %convert_element_type3A_180, %cond3A_181 : i32
      scf.if %cond3A_182 {
        %ge3A = arith.constant 3 : i32
        %ge3A_366 = arith.cmpi sge, %add3A_175, %ge3A : i32
        %convert_element_type3A_367 = arith.extui %ge3A_366 : i1 to i32
        %cond3A_368 = arith.constant 0 : i32
        %cond3A_369 = arith.cmpi ne, %convert_element_type3A_367, %cond3A_368 : i32
        scf.if %cond3A_369 {
          %sub3A = arith.constant 3 : i32
          %sub3A_386 = arith.subi %add3A_175, %sub3A : i32
          %mul3A_387 = arith.constant 128 : i32
          %mul3A_388 = arith.muli %sub3A_386, %mul3A_387 : i32
          %add3A_389 = arith.addi %mul3A_2, %mul3A_388 : i32
          %dma_wait3A_390 = arith.constant 3 : i32
          %dma_wait3A_391 = arith.constant 3 : i32
          %dma_wait3A_392 = arith.constant 0 : i32
          %dma_wait3A_393 = arith.constant 0 : i32
          %dma_wait3A_394 = tpu.memref_slice %arg6[%dma_wait3A_390, %dma_wait3A_392, %dma_wait3A_393] : memref<5x128x128xf32, #tpu.memory_space<vmem>> -> memref<1x128x128xf32, #tpu.memory_space<vmem>>
          %dma_wait3A_395 = tpu.memref_squeeze %dma_wait3A_394 : memref<1x128x128xf32, #tpu.memory_space<vmem>> -> memref<128x128xf32, #tpu.memory_space<vmem>>
          %dma_wait3A_396 = arith.constant 0 : i32
          %dma_wait3A_397 = tpu.memref_slice %arg4[%add3A_389, %dma_wait3A_396] : memref<204800x128xf32, #tpu.memory_space<hbm>> -> memref<128x128xf32, #tpu.memory_space<hbm>>
          %dma_wait3A_398 = tpu.memref_slice %arg8[%dma_wait3A_391] : memref<5x!tpu.dma_semaphore, #tpu.memory_space<semaphore_mem>> -> memref<1x!tpu.dma_semaphore, #tpu.memory_space<semaphore_mem>>
          %dma_wait3A_399 = tpu.memref_squeeze %dma_wait3A_398 : memref<1x!tpu.dma_semaphore, #tpu.memory_space<semaphore_mem>> -> memref<!tpu.dma_semaphore, #tpu.memory_space<semaphore_mem>>
          %dma_wait3A_400 = arith.constant 0 : i32
          %dma_wait3A_401 = tpu.memref_slice %arg4[%add3A_389, %dma_wait3A_400] : memref<204800x128xf32, #tpu.memory_space<hbm>> -> memref<128x128xf32, #tpu.memory_space<hbm>>
          %dma_wait3A_402 = arith.constant 0 : i32
          %dma_wait3A_403 = arith.constant 0 : i32
          %dma_wait3A_404 = tpu.memref_slice %arg6[%dma_wait3A_390, %dma_wait3A_402, %dma_wait3A_403] : memref<5x128x128xf32, #tpu.memory_space<vmem>> -> memref<1x128x128xf32, #tpu.memory_space<vmem>>
          %dma_wait3A_405 = tpu.memref_squeeze %dma_wait3A_404 : memref<1x128x128xf32, #tpu.memory_space<vmem>> -> memref<128x128xf32, #tpu.memory_space<vmem>>
          tpu.wait_dma2 semaphore(%dma_wait3A_399 : memref<!tpu.dma_semaphore, #tpu.memory_space<semaphore_mem>>) src(%dma_wait3A_405 : memref<128x128xf32, #tpu.memory_space<vmem>>) dst(%dma_wait3A_401 : memref<128x128xf32, #tpu.memory_space<hbm>>)
        } else {
        }
        %add3A_370 = arith.constant 2 : i32
        %add3A_371 = arith.addi %add3A_175, %add3A_370 : i32
        %dma_start3A_372 = arith.constant 3 : i32
        %dma_start3A_373 = arith.constant 3 : i32
        %dma_start3A_374 = arith.constant 0 : i32
        %dma_start3A_375 = arith.constant 0 : i32
        %dma_start3A_376 = tpu.memref_slice %arg6[%dma_start3A_372, %dma_start3A_374, %dma_start3A_375] : memref<5x128x128xf32, #tpu.memory_space<vmem>> -> memref<1x128x128xf32, #tpu.memory_space<vmem>>
        %dma_start3A_377 = tpu.memref_squeeze %dma_start3A_376 : memref<1x128x128xf32, #tpu.memory_space<vmem>> -> memref<128x128xf32, #tpu.memory_space<vmem>>
        %dma_start3A_378 = arith.constant 0 : i32
        %dma_start3A_379 = tpu.memref_slice %arg5[%add3A_371, %dma_start3A_378] : memref<50x128xi32, #tpu.memory_space<vmem>> -> memref<1x128xi32, #tpu.memory_space<vmem>>
        %dma_start3A_380 = tpu.memref_squeeze %dma_start3A_379 : memref<1x128xi32, #tpu.memory_space<vmem>> -> memref<128xi32, #tpu.memory_space<vmem>>
        %dma_start3A_381 = arith.constant 0 : i32
        %dma_start3A_382 = arith.constant 0 : i32
        %dma_start3A_383 = tpu.memref_slice %arg3[%dma_start3A_381, %dma_start3A_382] : memref<100000x128xf32, #tpu.memory_space<hbm>> -> memref<100000x128xf32, #tpu.memory_space<hbm>>
        %dma_start3A_384 = tpu.memref_slice %arg7[%dma_start3A_373] : memref<5x!tpu.dma_semaphore, #tpu.memory_space<semaphore_mem>> -> memref<1x!tpu.dma_semaphore, #tpu.memory_space<semaphore_mem>>
        %dma_start3A_385 = tpu.memref_squeeze %dma_start3A_384 : memref<1x!tpu.dma_semaphore, #tpu.memory_space<semaphore_mem>> -> memref<!tpu.dma_semaphore, #tpu.memory_space<semaphore_mem>>
        tpu.enqueue_indirect_dma source(%dma_start3A_383 : memref<100000x128xf32, #tpu.memory_space<hbm>>) target(%dma_start3A_377 : memref<128x128xf32, #tpu.memory_space<vmem>>) offsets(%dma_start3A_380 : memref<128xi32, #tpu.memory_space<vmem>>) semaphore(%dma_start3A_385 : memref<!tpu.dma_semaphore, #tpu.memory_space<semaphore_mem>>)
      } else {
      }
      %dma_wait3A_183 = arith.constant 1 : i32
      %dma_wait3A_184 = arith.constant 1 : i32
      %dma_wait3A_185 = arith.constant 0 : i32
      %dma_wait3A_186 = arith.constant 0 : i32
      %dma_wait3A_187 = tpu.memref_slice %arg6[%dma_wait3A_183, %dma_wait3A_185, %dma_wait3A_186] : memref<5x128x128xf32, #tpu.memory_space<vmem>> -> memref<1x128x128xf32, #tpu.memory_space<vmem>>
      %dma_wait3A_188 = tpu.memref_squeeze %dma_wait3A_187 : memref<1x128x128xf32, #tpu.memory_space<vmem>> -> memref<128x128xf32, #tpu.memory_space<vmem>>
      %dma_wait3A_189 = arith.constant 0 : i32
      %dma_wait3A_190 = tpu.memref_slice %arg5[%add3A_175, %dma_wait3A_189] : memref<50x128xi32, #tpu.memory_space<vmem>> -> memref<1x128xi32, #tpu.memory_space<vmem>>
      %dma_wait3A_191 = tpu.memref_squeeze %dma_wait3A_190 : memref<1x128xi32, #tpu.memory_space<vmem>> -> memref<128xi32, #tpu.memory_space<vmem>>
      %dma_wait3A_192 = arith.constant 0 : i32
      %dma_wait3A_193 = arith.constant 0 : i32
      %dma_wait3A_194 = tpu.memref_slice %arg3[%dma_wait3A_192, %dma_wait3A_193] : memref<100000x128xf32, #tpu.memory_space<hbm>> -> memref<100000x128xf32, #tpu.memory_space<hbm>>
      %dma_wait3A_195 = tpu.memref_slice %arg7[%dma_wait3A_184] : memref<5x!tpu.dma_semaphore, #tpu.memory_space<semaphore_mem>> -> memref<1x!tpu.dma_semaphore, #tpu.memory_space<semaphore_mem>>
      %dma_wait3A_196 = tpu.memref_squeeze %dma_wait3A_195 : memref<1x!tpu.dma_semaphore, #tpu.memory_space<semaphore_mem>> -> memref<!tpu.dma_semaphore, #tpu.memory_space<semaphore_mem>>
      tpu.wait_indirect_dma semaphore(%dma_wait3A_196 : memref<!tpu.dma_semaphore, #tpu.memory_space<semaphore_mem>>) src(%dma_wait3A_194 : memref<100000x128xf32, #tpu.memory_space<hbm>>) dst(%dma_wait3A_188 : memref<128x128xf32, #tpu.memory_space<vmem>>)
      %scan3A_197 = arith.constant 0 : i32
      %scan3A_198 = arith.constant 0 : i32
      %scan3A_199 = arith.constant 128 : i32
      %scan3A_200 = arith.addi %scan3A_198, %scan3A_199 : i32
      %scan3A_201 = arith.constant 1 : i32
      scf.for %scan3A_366 = %scan3A_198 to %scan3A_200 step %scan3A_201  : i32 {
        %get3A = arith.constant 1 : i32
        %get3A_367 = arith.index_cast %get3A : i32 to index
        %get3A_368 = arith.index_cast %scan3A_366 : i32 to index
        %get3A_369 = arith.constant 0 : index
        %get3A_370 = tpu.vector_load %arg6[%get3A_367, %get3A_368, %get3A_369] {strides = array<i32>} : memref<5x128x128xf32, #tpu.memory_space<vmem>>, vector<1x1x16xf32>,
        %get3A_371 = vector.shape_cast %get3A_370 : vector<1x1x16xf32> to vector<16xf32>
        %mul3A_372 = arith.constant 11.3137083 : f32
        %mul3A_373 = vector.broadcast %mul3A_372 : f32 to vector<16xf32>
        %mul3A_374 = arith.mulf %get3A_371, %mul3A_373 : vector<16xf32>
        %swap3A = arith.constant 1 : i32
        %swap3A_375 = arith.index_cast %swap3A : i32 to index
        %swap3A_376 = arith.index_cast %scan3A_366 : i32 to index
        %swap3A_377 = arith.constant 0 : index
        %swap3A_378 = tpu.vector_load %arg6[%swap3A_375, %swap3A_376, %swap3A_377] {strides = array<i32>} : memref<5x128x128xf32, #tpu.memory_space<vmem>>, vector<1x1x16xf32>,
        %swap3A_379 = vector.shape_cast %swap3A_378 : vector<1x1x16xf32> to vector<16xf32>
        %swap3A_380 = vector.shape_cast %mul3A_374 : vector<16xf32> to vector<1x1x16xf32>
        tpu.vector_store %arg6[%swap3A_375, %swap3A_376, %swap3A_377], %swap3A_380 {strides = array<i32>} : memref<5x128x128xf32, #tpu.memory_space<vmem>>, vector<1x1x16xf32>,
        %get3A_381 = arith.constant 1 : i32
        %get3A_382 = arith.index_cast %get3A_381 : i32 to index
        %get3A_383 = arith.index_cast %scan3A_366 : i32 to index
        %get3A_384 = arith.constant 16 : index
        %get3A_385 = tpu.vector_load %arg6[%get3A_382, %get3A_383, %get3A_384] {strides = array<i32>} : memref<5x128x128xf32, #tpu.memory_space<vmem>>, vector<1x1x16xf32>,
        %get3A_386 = vector.shape_cast %get3A_385 : vector<1x1x16xf32> to vector<16xf32>
        %mul3A_387 = arith.constant 11.3137083 : f32
        %mul3A_388 = vector.broadcast %mul3A_387 : f32 to vector<16xf32>
        %mul3A_389 = arith.mulf %get3A_386, %mul3A_388 : vector<16xf32>
        %swap3A_390 = arith.constant 1 : i32
        %swap3A_391 = arith.index_cast %swap3A_390 : i32 to index
        %swap3A_392 = arith.index_cast %scan3A_366 : i32 to index
        %swap3A_393 = arith.constant 16 : index
        %swap3A_394 = tpu.vector_load %arg6[%swap3A_391, %swap3A_392, %swap3A_393] {strides = array<i32>} : memref<5x128x128xf32, #tpu.memory_space<vmem>>, vector<1x1x16xf32>,
        %swap3A_395 = vector.shape_cast %swap3A_394 : vector<1x1x16xf32> to vector<16xf32>
        %swap3A_396 = vector.shape_cast %mul3A_389 : vector<16xf32> to vector<1x1x16xf32>
        tpu.vector_store %arg6[%swap3A_391, %swap3A_392, %swap3A_393], %swap3A_396 {strides = array<i32>} : memref<5x128x128xf32, #tpu.memory_space<vmem>>, vector<1x1x16xf32>,
        %get3A_397 = arith.constant 1 : i32
        %get3A_398 = arith.index_cast %get3A_397 : i32 to index
        %get3A_399 = arith.index_cast %scan3A_366 : i32 to index
        %get3A_400 = arith.constant 32 : index
        %get3A_401 = tpu.vector_load %arg6[%get3A_398, %get3A_399, %get3A_400] {strides = array<i32>} : memref<5x128x128xf32, #tpu.memory_space<vmem>>, vector<1x1x16xf32>,
        %get3A_402 = vector.shape_cast %get3A_401 : vector<1x1x16xf32> to vector<16xf32>
        %mul3A_403 = arith.constant 11.3137083 : f32
        %mul3A_404 = vector.broadcast %mul3A_403 : f32 to vector<16xf32>
        %mul3A_405 = arith.mulf %get3A_402, %mul3A_404 : vector<16xf32>
        %swap3A_406 = arith.constant 1 : i32
        %swap3A_407 = arith.index_cast %swap3A_406 : i32 to index
        %swap3A_408 = arith.index_cast %scan3A_366 : i32 to index
        %swap3A_409 = arith.constant 32 : index
        %swap3A_410 = tpu.vector_load %arg6[%swap3A_407, %swap3A_408, %swap3A_409] {strides = array<i32>} : memref<5x128x128xf32, #tpu.memory_space<vmem>>, vector<1x1x16xf32>,
        %swap3A_411 = vector.shape_cast %swap3A_410 : vector<1x1x16xf32> to vector<16xf32>
        %swap3A_412 = vector.shape_cast %mul3A_405 : vector<16xf32> to vector<1x1x16xf32>
        tpu.vector_store %arg6[%swap3A_407, %swap3A_408, %swap3A_409], %swap3A_412 {strides = array<i32>} : memref<5x128x128xf32, #tpu.memory_space<vmem>>, vector<1x1x16xf32>,
        %get3A_413 = arith.constant 1 : i32
        %get3A_414 = arith.index_cast %get3A_413 : i32 to index
        %get3A_415 = arith.index_cast %scan3A_366 : i32 to index
        %get3A_416 = arith.constant 48 : index
        %get3A_417 = tpu.vector_load %arg6[%get3A_414, %get3A_415, %get3A_416] {strides = array<i32>} : memref<5x128x128xf32, #tpu.memory_space<vmem>>, vector<1x1x16xf32>,
        %get3A_418 = vector.shape_cast %get3A_417 : vector<1x1x16xf32> to vector<16xf32>
        %mul3A_419 = arith.constant 11.3137083 : f32
        %mul3A_420 = vector.broadcast %mul3A_419 : f32 to vector<16xf32>
        %mul3A_421 = arith.mulf %get3A_418, %mul3A_420 : vector<16xf32>
        %swap3A_422 = arith.constant 1 : i32
        %swap3A_423 = arith.index_cast %swap3A_422 : i32 to index
        %swap3A_424 = arith.index_cast %scan3A_366 : i32 to index
        %swap3A_425 = arith.constant 48 : index
        %swap3A_426 = tpu.vector_load %arg6[%swap3A_423, %swap3A_424, %swap3A_425] {strides = array<i32>} : memref<5x128x128xf32, #tpu.memory_space<vmem>>, vector<1x1x16xf32>,
        %swap3A_427 = vector.shape_cast %swap3A_426 : vector<1x1x16xf32> to vector<16xf32>
        %swap3A_428 = vector.shape_cast %mul3A_421 : vector<16xf32> to vector<1x1x16xf32>
        tpu.vector_store %arg6[%swap3A_423, %swap3A_424, %swap3A_425], %swap3A_428 {strides = array<i32>} : memref<5x128x128xf32, #tpu.memory_space<vmem>>, vector<1x1x16xf32>,
        %get3A_429 = arith.constant 1 : i32
        %get3A_430 = arith.index_cast %get3A_429 : i32 to index
        %get3A_431 = arith.index_cast %scan3A_366 : i32 to index
        %get3A_432 = arith.constant 64 : index
        %get3A_433 = tpu.vector_load %arg6[%get3A_430, %get3A_431, %get3A_432] {strides = array<i32>} : memref<5x128x128xf32, #tpu.memory_space<vmem>>, vector<1x1x16xf32>,
        %get3A_434 = vector.shape_cast %get3A_433 : vector<1x1x16xf32> to vector<16xf32>
        %mul3A_435 = arith.constant 11.3137083 : f32
        %mul3A_436 = vector.broadcast %mul3A_435 : f32 to vector<16xf32>
        %mul3A_437 = arith.mulf %get3A_434, %mul3A_436 : vector<16xf32>
        %swap3A_438 = arith.constant 1 : i32
        %swap3A_439 = arith.index_cast %swap3A_438 : i32 to index
        %swap3A_440 = arith.index_cast %scan3A_366 : i32 to index
        %swap3A_441 = arith.constant 64 : index
        %swap3A_442 = tpu.vector_load %arg6[%swap3A_439, %swap3A_440, %swap3A_441] {strides = array<i32>} : memref<5x128x128xf32, #tpu.memory_space<vmem>>, vector<1x1x16xf32>,
        %swap3A_443 = vector.shape_cast %swap3A_442 : vector<1x1x16xf32> to vector<16xf32>
        %swap3A_444 = vector.shape_cast %mul3A_437 : vector<16xf32> to vector<1x1x16xf32>
        tpu.vector_store %arg6[%swap3A_439, %swap3A_440, %swap3A_441], %swap3A_444 {strides = array<i32>} : memref<5x128x128xf32, #tpu.memory_space<vmem>>, vector<1x1x16xf32>,
        %get3A_445 = arith.constant 1 : i32
        %get3A_446 = arith.index_cast %get3A_445 : i32 to index
        %get3A_447 = arith.index_cast %scan3A_366 : i32 to index
        %get3A_448 = arith.constant 80 : index
        %get3A_449 = tpu.vector_load %arg6[%get3A_446, %get3A_447, %get3A_448] {strides = array<i32>} : memref<5x128x128xf32, #tpu.memory_space<vmem>>, vector<1x1x16xf32>,
        %get3A_450 = vector.shape_cast %get3A_449 : vector<1x1x16xf32> to vector<16xf32>
        %mul3A_451 = arith.constant 11.3137083 : f32
        %mul3A_452 = vector.broadcast %mul3A_451 : f32 to vector<16xf32>
        %mul3A_453 = arith.mulf %get3A_450, %mul3A_452 : vector<16xf32>
        %swap3A_454 = arith.constant 1 : i32
        %swap3A_455 = arith.index_cast %swap3A_454 : i32 to index
        %swap3A_456 = arith.index_cast %scan3A_366 : i32 to index
        %swap3A_457 = arith.constant 80 : index
        %swap3A_458 = tpu.vector_load %arg6[%swap3A_455, %swap3A_456, %swap3A_457] {strides = array<i32>} : memref<5x128x128xf32, #tpu.memory_space<vmem>>, vector<1x1x16xf32>,
        %swap3A_459 = vector.shape_cast %swap3A_458 : vector<1x1x16xf32> to vector<16xf32>
        %swap3A_460 = vector.shape_cast %mul3A_453 : vector<16xf32> to vector<1x1x16xf32>
        tpu.vector_store %arg6[%swap3A_455, %swap3A_456, %swap3A_457], %swap3A_460 {strides = array<i32>} : memref<5x128x128xf32, #tpu.memory_space<vmem>>, vector<1x1x16xf32>,
        %get3A_461 = arith.constant 1 : i32
        %get3A_462 = arith.index_cast %get3A_461 : i32 to index
        %get3A_463 = arith.index_cast %scan3A_366 : i32 to index
        %get3A_464 = arith.constant 96 : index
        %get3A_465 = tpu.vector_load %arg6[%get3A_462, %get3A_463, %get3A_464] {strides = array<i32>} : memref<5x128x128xf32, #tpu.memory_space<vmem>>, vector<1x1x16xf32>,
        %get3A_466 = vector.shape_cast %get3A_465 : vector<1x1x16xf32> to vector<16xf32>
        %mul3A_467 = arith.constant 11.3137083 : f32
        %mul3A_468 = vector.broadcast %mul3A_467 : f32 to vector<16xf32>
        %mul3A_469 = arith.mulf %get3A_466, %mul3A_468 : vector<16xf32>
        %swap3A_470 = arith.constant 1 : i32
        %swap3A_471 = arith.index_cast %swap3A_470 : i32 to index
        %swap3A_472 = arith.index_cast %scan3A_366 : i32 to index
        %swap3A_473 = arith.constant 96 : index
        %swap3A_474 = tpu.vector_load %arg6[%swap3A_471, %swap3A_472, %swap3A_473] {strides = array<i32>} : memref<5x128x128xf32, #tpu.memory_space<vmem>>, vector<1x1x16xf32>,
        %swap3A_475 = vector.shape_cast %swap3A_474 : vector<1x1x16xf32> to vector<16xf32>
        %swap3A_476 = vector.shape_cast %mul3A_469 : vector<16xf32> to vector<1x1x16xf32>
        tpu.vector_store %arg6[%swap3A_471, %swap3A_472, %swap3A_473], %swap3A_476 {strides = array<i32>} : memref<5x128x128xf32, #tpu.memory_space<vmem>>, vector<1x1x16xf32>,
        %get3A_477 = arith.constant 1 : i32
        %get3A_478 = arith.index_cast %get3A_477 : i32 to index
        %get3A_479 = arith.index_cast %scan3A_366 : i32 to index
        %get3A_480 = arith.constant 112 : index
        %get3A_481 = tpu.vector_load %arg6[%get3A_478, %get3A_479, %get3A_480] {strides = array<i32>} : memref<5x128x128xf32, #tpu.memory_space<vmem>>, vector<1x1x16xf32>,
        %get3A_482 = vector.shape_cast %get3A_481 : vector<1x1x16xf32> to vector<16xf32>
        %mul3A_483 = arith.constant 11.3137083 : f32
        %mul3A_484 = vector.broadcast %mul3A_483 : f32 to vector<16xf32>
        %mul3A_485 = arith.mulf %get3A_482, %mul3A_484 : vector<16xf32>
        %swap3A_486 = arith.constant 1 : i32
        %swap3A_487 = arith.index_cast %swap3A_486 : i32 to index
        %swap3A_488 = arith.index_cast %scan3A_366 : i32 to index
        %swap3A_489 = arith.constant 112 : index
        %swap3A_490 = tpu.vector_load %arg6[%swap3A_487, %swap3A_488, %swap3A_489] {strides = array<i32>} : memref<5x128x128xf32, #tpu.memory_space<vmem>>, vector<1x1x16xf32>,
        %swap3A_491 = vector.shape_cast %swap3A_490 : vector<1x1x16xf32> to vector<16xf32>
        %swap3A_492 = vector.shape_cast %mul3A_485 : vector<16xf32> to vector<1x1x16xf32>
        tpu.vector_store %arg6[%swap3A_487, %swap3A_488, %swap3A_489], %swap3A_492 {strides = array<i32>} : memref<5x128x128xf32, #tpu.memory_space<vmem>>, vector<1x1x16xf32>,
      }
      %scan3A_202 = arith.constant 128 : i32
      %mul3A_203 = arith.constant 128 : i32
      %mul3A_204 = arith.muli %add3A_175, %mul3A_203 : i32
      %add3A_205 = arith.addi %mul3A_2, %mul3A_204 : i32
      %dma_start3A_206 = arith.constant 1 : i32
      %dma_start3A_207 = arith.constant 1 : i32
      %dma_start3A_208 = arith.constant 0 : i32
      %dma_start3A_209 = arith.constant 0 : i32
      %dma_start3A_210 = tpu.memref_slice %arg6[%dma_start3A_206, %dma_start3A_208, %dma_start3A_209] : memref<5x128x128xf32, #tpu.memory_space<vmem>> -> memref<1x128x128xf32, #tpu.memory_space<vmem>>
      %dma_start3A_211 = tpu.memref_squeeze %dma_start3A_210 : memref<1x128x128xf32, #tpu.memory_space<vmem>> -> memref<128x128xf32, #tpu.memory_space<vmem>>
      %dma_start3A_212 = arith.constant 0 : i32
      %dma_start3A_213 = tpu.memref_slice %arg4[%add3A_205, %dma_start3A_212] : memref<204800x128xf32, #tpu.memory_space<hbm>> -> memref<128x128xf32, #tpu.memory_space<hbm>>
      %dma_start3A_214 = tpu.memref_slice %arg8[%dma_start3A_207] : memref<5x!tpu.dma_semaphore, #tpu.memory_space<semaphore_mem>> -> memref<1x!tpu.dma_semaphore, #tpu.memory_space<semaphore_mem>>
      %dma_start3A_215 = tpu.memref_squeeze %dma_start3A_214 : memref<1x!tpu.dma_semaphore, #tpu.memory_space<semaphore_mem>> -> memref<!tpu.dma_semaphore, #tpu.memory_space<semaphore_mem>>
      %dma_start3A_216 = arith.constant 0 : i32
      %dma_start3A_217 = tpu.memref_slice %arg4[%add3A_205, %dma_start3A_216] : memref<204800x128xf32, #tpu.memory_space<hbm>> -> memref<128x128xf32, #tpu.memory_space<hbm>>
      %dma_start3A_218 = arith.constant 0 : i32
      %dma_start3A_219 = arith.constant 0 : i32
      %dma_start3A_220 = tpu.memref_slice %arg6[%dma_start3A_206, %dma_start3A_218, %dma_start3A_219] : memref<5x128x128xf32, #tpu.memory_space<vmem>> -> memref<1x128x128xf32, #tpu.memory_space<vmem>>
      %dma_start3A_221 = tpu.memref_squeeze %dma_start3A_220 : memref<1x128x128xf32, #tpu.memory_space<vmem>> -> memref<128x128xf32, #tpu.memory_space<vmem>>
      tpu.enqueue_dma source(%dma_start3A_221 : memref<128x128xf32, #tpu.memory_space<vmem>>) target(%dma_start3A_217 : memref<128x128xf32, #tpu.memory_space<hbm>>) target_semaphore(%dma_start3A_215 : memref<!tpu.dma_semaphore, #tpu.memory_space<semaphore_mem>>)
      %add3A_222 = arith.constant 2 : i32
      %add3A_223 = arith.addi %mul3A_128, %add3A_222 : i32
      %add3A_224 = arith.constant 2 : i32
      %add3A_225 = arith.addi %add3A_223, %add3A_224 : i32
      %lt3A_226 = arith.constant 50 : i32
      %lt3A_227 = arith.cmpi slt, %add3A_225, %lt3A_226 : i32
      %convert_element_type3A_228 = arith.extui %lt3A_227 : i1 to i32
      %cond3A_229 = arith.constant 0 : i32
      %cond3A_230 = arith.cmpi ne, %convert_element_type3A_228, %cond3A_229 : i32
      scf.if %cond3A_230 {
        %ge3A = arith.constant 3 : i32
        %ge3A_366 = arith.cmpi sge, %add3A_223, %ge3A : i32
        %convert_element_type3A_367 = arith.extui %ge3A_366 : i1 to i32
        %cond3A_368 = arith.constant 0 : i32
        %cond3A_369 = arith.cmpi ne, %convert_element_type3A_367, %cond3A_368 : i32
        scf.if %cond3A_369 {
          %sub3A = arith.constant 3 : i32
          %sub3A_386 = arith.subi %add3A_223, %sub3A : i32
          %mul3A_387 = arith.constant 128 : i32
          %mul3A_388 = arith.muli %sub3A_386, %mul3A_387 : i32
          %add3A_389 = arith.addi %mul3A_2, %mul3A_388 : i32
          %dma_wait3A_390 = arith.constant 4 : i32
          %dma_wait3A_391 = arith.constant 4 : i32
          %dma_wait3A_392 = arith.constant 0 : i32
          %dma_wait3A_393 = arith.constant 0 : i32
          %dma_wait3A_394 = tpu.memref_slice %arg6[%dma_wait3A_390, %dma_wait3A_392, %dma_wait3A_393] : memref<5x128x128xf32, #tpu.memory_space<vmem>> -> memref<1x128x128xf32, #tpu.memory_space<vmem>>
          %dma_wait3A_395 = tpu.memref_squeeze %dma_wait3A_394 : memref<1x128x128xf32, #tpu.memory_space<vmem>> -> memref<128x128xf32, #tpu.memory_space<vmem>>
          %dma_wait3A_396 = arith.constant 0 : i32
          %dma_wait3A_397 = tpu.memref_slice %arg4[%add3A_389, %dma_wait3A_396] : memref<204800x128xf32, #tpu.memory_space<hbm>> -> memref<128x128xf32, #tpu.memory_space<hbm>>
          %dma_wait3A_398 = tpu.memref_slice %arg8[%dma_wait3A_391] : memref<5x!tpu.dma_semaphore, #tpu.memory_space<semaphore_mem>> -> memref<1x!tpu.dma_semaphore, #tpu.memory_space<semaphore_mem>>
          %dma_wait3A_399 = tpu.memref_squeeze %dma_wait3A_398 : memref<1x!tpu.dma_semaphore, #tpu.memory_space<semaphore_mem>> -> memref<!tpu.dma_semaphore, #tpu.memory_space<semaphore_mem>>
          %dma_wait3A_400 = arith.constant 0 : i32
          %dma_wait3A_401 = tpu.memref_slice %arg4[%add3A_389, %dma_wait3A_400] : memref<204800x128xf32, #tpu.memory_space<hbm>> -> memref<128x128xf32, #tpu.memory_space<hbm>>
          %dma_wait3A_402 = arith.constant 0 : i32
          %dma_wait3A_403 = arith.constant 0 : i32
          %dma_wait3A_404 = tpu.memref_slice %arg6[%dma_wait3A_390, %dma_wait3A_402, %dma_wait3A_403] : memref<5x128x128xf32, #tpu.memory_space<vmem>> -> memref<1x128x128xf32, #tpu.memory_space<vmem>>
          %dma_wait3A_405 = tpu.memref_squeeze %dma_wait3A_404 : memref<1x128x128xf32, #tpu.memory_space<vmem>> -> memref<128x128xf32, #tpu.memory_space<vmem>>
          tpu.wait_dma2 semaphore(%dma_wait3A_399 : memref<!tpu.dma_semaphore, #tpu.memory_space<semaphore_mem>>) src(%dma_wait3A_405 : memref<128x128xf32, #tpu.memory_space<vmem>>) dst(%dma_wait3A_401 : memref<128x128xf32, #tpu.memory_space<hbm>>)
        } else {
        }
        %add3A_370 = arith.constant 2 : i32
        %add3A_371 = arith.addi %add3A_223, %add3A_370 : i32
        %dma_start3A_372 = arith.constant 4 : i32
        %dma_start3A_373 = arith.constant 4 : i32
        %dma_start3A_374 = arith.constant 0 : i32
        %dma_start3A_375 = arith.constant 0 : i32
        %dma_start3A_376 = tpu.memref_slice %arg6[%dma_start3A_372, %dma_start3A_374, %dma_start3A_375] : memref<5x128x128xf32, #tpu.memory_space<vmem>> -> memref<1x128x128xf32, #tpu.memory_space<vmem>>
        %dma_start3A_377 = tpu.memref_squeeze %dma_start3A_376 : memref<1x128x128xf32, #tpu.memory_space<vmem>> -> memref<128x128xf32, #tpu.memory_space<vmem>>
        %dma_start3A_378 = arith.constant 0 : i32
        %dma_start3A_379 = tpu.memref_slice %arg5[%add3A_371, %dma_start3A_378] : memref<50x128xi32, #tpu.memory_space<vmem>> -> memref<1x128xi32, #tpu.memory_space<vmem>>
        %dma_start3A_380 = tpu.memref_squeeze %dma_start3A_379 : memref<1x128xi32, #tpu.memory_space<vmem>> -> memref<128xi32, #tpu.memory_space<vmem>>
        %dma_start3A_381 = arith.constant 0 : i32
        %dma_start3A_382 = arith.constant 0 : i32
        %dma_start3A_383 = tpu.memref_slice %arg3[%dma_start3A_381, %dma_start3A_382] : memref<100000x128xf32, #tpu.memory_space<hbm>> -> memref<100000x128xf32, #tpu.memory_space<hbm>>
        %dma_start3A_384 = tpu.memref_slice %arg7[%dma_start3A_373] : memref<5x!tpu.dma_semaphore, #tpu.memory_space<semaphore_mem>> -> memref<1x!tpu.dma_semaphore, #tpu.memory_space<semaphore_mem>>
        %dma_start3A_385 = tpu.memref_squeeze %dma_start3A_384 : memref<1x!tpu.dma_semaphore, #tpu.memory_space<semaphore_mem>> -> memref<!tpu.dma_semaphore, #tpu.memory_space<semaphore_mem>>
        tpu.enqueue_indirect_dma source(%dma_start3A_383 : memref<100000x128xf32, #tpu.memory_space<hbm>>) target(%dma_start3A_377 : memref<128x128xf32, #tpu.memory_space<vmem>>) offsets(%dma_start3A_380 : memref<128xi32, #tpu.memory_space<vmem>>) semaphore(%dma_start3A_385 : memref<!tpu.dma_semaphore, #tpu.memory_space<semaphore_mem>>)
      } else {
      }
      %dma_wait3A_231 = arith.constant 2 : i32
      %dma_wait3A_232 = arith.constant 2 : i32
      %dma_wait3A_233 = arith.constant 0 : i32
      %dma_wait3A_234 = arith.constant 0 : i32
      %dma_wait3A_235 = tpu.memref_slice %arg6[%dma_wait3A_231, %dma_wait3A_233, %dma_wait3A_234] : memref<5x128x128xf32, #tpu.memory_space<vmem>> -> memref<1x128x128xf32, #tpu.memory_space<vmem>>
      %dma_wait3A_236 = tpu.memref_squeeze %dma_wait3A_235 : memref<1x128x128xf32, #tpu.memory_space<vmem>> -> memref<128x128xf32, #tpu.memory_space<vmem>>
      %dma_wait3A_237 = arith.constant 0 : i32
      %dma_wait3A_238 = tpu.memref_slice %arg5[%add3A_223, %dma_wait3A_237] : memref<50x128xi32, #tpu.memory_space<vmem>> -> memref<1x128xi32, #tpu.memory_space<vmem>>
      %dma_wait3A_239 = tpu.memref_squeeze %dma_wait3A_238 : memref<1x128xi32, #tpu.memory_space<vmem>> -> memref<128xi32, #tpu.memory_space<vmem>>
      %dma_wait3A_240 = arith.constant 0 : i32
      %dma_wait3A_241 = arith.constant 0 : i32
      %dma_wait3A_242 = tpu.memref_slice %arg3[%dma_wait3A_240, %dma_wait3A_241] : memref<100000x128xf32, #tpu.memory_space<hbm>> -> memref<100000x128xf32, #tpu.memory_space<hbm>>
      %dma_wait3A_243 = tpu.memref_slice %arg7[%dma_wait3A_232] : memref<5x!tpu.dma_semaphore, #tpu.memory_space<semaphore_mem>> -> memref<1x!tpu.dma_semaphore, #tpu.memory_space<semaphore_mem>>
      %dma_wait3A_244 = tpu.memref_squeeze %dma_wait3A_243 : memref<1x!tpu.dma_semaphore, #tpu.memory_space<semaphore_mem>> -> memref<!tpu.dma_semaphore, #tpu.memory_space<semaphore_mem>>
      tpu.wait_indirect_dma semaphore(%dma_wait3A_244 : memref<!tpu.dma_semaphore, #tpu.memory_space<semaphore_mem>>) src(%dma_wait3A_242 : memref<100000x128xf32, #tpu.memory_space<hbm>>) dst(%dma_wait3A_236 : memref<128x128xf32, #tpu.memory_space<vmem>>)
      %scan3A_245 = arith.constant 0 : i32
      %scan3A_246 = arith.constant 0 : i32
      %scan3A_247 = arith.constant 128 : i32
      %scan3A_248 = arith.addi %scan3A_246, %scan3A_247 : i32
      %scan3A_249 = arith.constant 1 : i32
      scf.for %scan3A_366 = %scan3A_246 to %scan3A_248 step %scan3A_249  : i32 {
        %get3A = arith.constant 2 : i32
        %get3A_367 = arith.index_cast %get3A : i32 to index
        %get3A_368 = arith.index_cast %scan3A_366 : i32 to index
        %get3A_369 = arith.constant 0 : index
        %get3A_370 = tpu.vector_load %arg6[%get3A_367, %get3A_368, %get3A_369] {strides = array<i32>} : memref<5x128x128xf32, #tpu.memory_space<vmem>>, vector<1x1x16xf32>,
        %get3A_371 = vector.shape_cast %get3A_370 : vector<1x1x16xf32> to vector<16xf32>
        %mul3A_372 = arith.constant 11.3137083 : f32
        %mul3A_373 = vector.broadcast %mul3A_372 : f32 to vector<16xf32>
        %mul3A_374 = arith.mulf %get3A_371, %mul3A_373 : vector<16xf32>
        %swap3A = arith.constant 2 : i32
        %swap3A_375 = arith.index_cast %swap3A : i32 to index
        %swap3A_376 = arith.index_cast %scan3A_366 : i32 to index
        %swap3A_377 = arith.constant 0 : index
        %swap3A_378 = tpu.vector_load %arg6[%swap3A_375, %swap3A_376, %swap3A_377] {strides = array<i32>} : memref<5x128x128xf32, #tpu.memory_space<vmem>>, vector<1x1x16xf32>,
        %swap3A_379 = vector.shape_cast %swap3A_378 : vector<1x1x16xf32> to vector<16xf32>
        %swap3A_380 = vector.shape_cast %mul3A_374 : vector<16xf32> to vector<1x1x16xf32>
        tpu.vector_store %arg6[%swap3A_375, %swap3A_376, %swap3A_377], %swap3A_380 {strides = array<i32>} : memref<5x128x128xf32, #tpu.memory_space<vmem>>, vector<1x1x16xf32>,
        %get3A_381 = arith.constant 2 : i32
        %get3A_382 = arith.index_cast %get3A_381 : i32 to index
        %get3A_383 = arith.index_cast %scan3A_366 : i32 to index
        %get3A_384 = arith.constant 16 : index
        %get3A_385 = tpu.vector_load %arg6[%get3A_382, %get3A_383, %get3A_384] {strides = array<i32>} : memref<5x128x128xf32, #tpu.memory_space<vmem>>, vector<1x1x16xf32>,
        %get3A_386 = vector.shape_cast %get3A_385 : vector<1x1x16xf32> to vector<16xf32>
        %mul3A_387 = arith.constant 11.3137083 : f32
        %mul3A_388 = vector.broadcast %mul3A_387 : f32 to vector<16xf32>
        %mul3A_389 = arith.mulf %get3A_386, %mul3A_388 : vector<16xf32>
        %swap3A_390 = arith.constant 2 : i32
        %swap3A_391 = arith.index_cast %swap3A_390 : i32 to index
        %swap3A_392 = arith.index_cast %scan3A_366 : i32 to index
        %swap3A_393 = arith.constant 16 : index
        %swap3A_394 = tpu.vector_load %arg6[%swap3A_391, %swap3A_392, %swap3A_393] {strides = array<i32>} : memref<5x128x128xf32, #tpu.memory_space<vmem>>, vector<1x1x16xf32>,
        %swap3A_395 = vector.shape_cast %swap3A_394 : vector<1x1x16xf32> to vector<16xf32>
        %swap3A_396 = vector.shape_cast %mul3A_389 : vector<16xf32> to vector<1x1x16xf32>
        tpu.vector_store %arg6[%swap3A_391, %swap3A_392, %swap3A_393], %swap3A_396 {strides = array<i32>} : memref<5x128x128xf32, #tpu.memory_space<vmem>>, vector<1x1x16xf32>,
        %get3A_397 = arith.constant 2 : i32
        %get3A_398 = arith.index_cast %get3A_397 : i32 to index
        %get3A_399 = arith.index_cast %scan3A_366 : i32 to index
        %get3A_400 = arith.constant 32 : index
        %get3A_401 = tpu.vector_load %arg6[%get3A_398, %get3A_399, %get3A_400] {strides = array<i32>} : memref<5x128x128xf32, #tpu.memory_space<vmem>>, vector<1x1x16xf32>,
        %get3A_402 = vector.shape_cast %get3A_401 : vector<1x1x16xf32> to vector<16xf32>
        %mul3A_403 = arith.constant 11.3137083 : f32
        %mul3A_404 = vector.broadcast %mul3A_403 : f32 to vector<16xf32>
        %mul3A_405 = arith.mulf %get3A_402, %mul3A_404 : vector<16xf32>
        %swap3A_406 = arith.constant 2 : i32
        %swap3A_407 = arith.index_cast %swap3A_406 : i32 to index
        %swap3A_408 = arith.index_cast %scan3A_366 : i32 to index
        %swap3A_409 = arith.constant 32 : index
        %swap3A_410 = tpu.vector_load %arg6[%swap3A_407, %swap3A_408, %swap3A_409] {strides = array<i32>} : memref<5x128x128xf32, #tpu.memory_space<vmem>>, vector<1x1x16xf32>,
        %swap3A_411 = vector.shape_cast %swap3A_410 : vector<1x1x16xf32> to vector<16xf32>
        %swap3A_412 = vector.shape_cast %mul3A_405 : vector<16xf32> to vector<1x1x16xf32>
        tpu.vector_store %arg6[%swap3A_407, %swap3A_408, %swap3A_409], %swap3A_412 {strides = array<i32>} : memref<5x128x128xf32, #tpu.memory_space<vmem>>, vector<1x1x16xf32>,
        %get3A_413 = arith.constant 2 : i32
        %get3A_414 = arith.index_cast %get3A_413 : i32 to index
        %get3A_415 = arith.index_cast %scan3A_366 : i32 to index
        %get3A_416 = arith.constant 48 : index
        %get3A_417 = tpu.vector_load %arg6[%get3A_414, %get3A_415, %get3A_416] {strides = array<i32>} : memref<5x128x128xf32, #tpu.memory_space<vmem>>, vector<1x1x16xf32>,
        %get3A_418 = vector.shape_cast %get3A_417 : vector<1x1x16xf32> to vector<16xf32>
        %mul3A_419 = arith.constant 11.3137083 : f32
        %mul3A_420 = vector.broadcast %mul3A_419 : f32 to vector<16xf32>
        %mul3A_421 = arith.mulf %get3A_418, %mul3A_420 : vector<16xf32>
        %swap3A_422 = arith.constant 2 : i32
        %swap3A_423 = arith.index_cast %swap3A_422 : i32 to index
        %swap3A_424 = arith.index_cast %scan3A_366 : i32 to index
        %swap3A_425 = arith.constant 48 : index
        %swap3A_426 = tpu.vector_load %arg6[%swap3A_423, %swap3A_424, %swap3A_425] {strides = array<i32>} : memref<5x128x128xf32, #tpu.memory_space<vmem>>, vector<1x1x16xf32>,
        %swap3A_427 = vector.shape_cast %swap3A_426 : vector<1x1x16xf32> to vector<16xf32>
        %swap3A_428 = vector.shape_cast %mul3A_421 : vector<16xf32> to vector<1x1x16xf32>
        tpu.vector_store %arg6[%swap3A_423, %swap3A_424, %swap3A_425], %swap3A_428 {strides = array<i32>} : memref<5x128x128xf32, #tpu.memory_space<vmem>>, vector<1x1x16xf32>,
        %get3A_429 = arith.constant 2 : i32
        %get3A_430 = arith.index_cast %get3A_429 : i32 to index
        %get3A_431 = arith.index_cast %scan3A_366 : i32 to index
        %get3A_432 = arith.constant 64 : index
        %get3A_433 = tpu.vector_load %arg6[%get3A_430, %get3A_431, %get3A_432] {strides = array<i32>} : memref<5x128x128xf32, #tpu.memory_space<vmem>>, vector<1x1x16xf32>,
        %get3A_434 = vector.shape_cast %get3A_433 : vector<1x1x16xf32> to vector<16xf32>
        %mul3A_435 = arith.constant 11.3137083 : f32
        %mul3A_436 = vector.broadcast %mul3A_435 : f32 to vector<16xf32>
        %mul3A_437 = arith.mulf %get3A_434, %mul3A_436 : vector<16xf32>
        %swap3A_438 = arith.constant 2 : i32
        %swap3A_439 = arith.index_cast %swap3A_438 : i32 to index
        %swap3A_440 = arith.index_cast %scan3A_366 : i32 to index
        %swap3A_441 = arith.constant 64 : index
        %swap3A_442 = tpu.vector_load %arg6[%swap3A_439, %swap3A_440, %swap3A_441] {strides = array<i32>} : memref<5x128x128xf32, #tpu.memory_space<vmem>>, vector<1x1x16xf32>,
        %swap3A_443 = vector.shape_cast %swap3A_442 : vector<1x1x16xf32> to vector<16xf32>
        %swap3A_444 = vector.shape_cast %mul3A_437 : vector<16xf32> to vector<1x1x16xf32>
        tpu.vector_store %arg6[%swap3A_439, %swap3A_440, %swap3A_441], %swap3A_444 {strides = array<i32>} : memref<5x128x128xf32, #tpu.memory_space<vmem>>, vector<1x1x16xf32>,
        %get3A_445 = arith.constant 2 : i32
        %get3A_446 = arith.index_cast %get3A_445 : i32 to index
        %get3A_447 = arith.index_cast %scan3A_366 : i32 to index
        %get3A_448 = arith.constant 80 : index
        %get3A_449 = tpu.vector_load %arg6[%get3A_446, %get3A_447, %get3A_448] {strides = array<i32>} : memref<5x128x128xf32, #tpu.memory_space<vmem>>, vector<1x1x16xf32>,
        %get3A_450 = vector.shape_cast %get3A_449 : vector<1x1x16xf32> to vector<16xf32>
        %mul3A_451 = arith.constant 11.3137083 : f32
        %mul3A_452 = vector.broadcast %mul3A_451 : f32 to vector<16xf32>
        %mul3A_453 = arith.mulf %get3A_450, %mul3A_452 : vector<16xf32>
        %swap3A_454 = arith.constant 2 : i32
        %swap3A_455 = arith.index_cast %swap3A_454 : i32 to index
        %swap3A_456 = arith.index_cast %scan3A_366 : i32 to index
        %swap3A_457 = arith.constant 80 : index
        %swap3A_458 = tpu.vector_load %arg6[%swap3A_455, %swap3A_456, %swap3A_457] {strides = array<i32>} : memref<5x128x128xf32, #tpu.memory_space<vmem>>, vector<1x1x16xf32>,
        %swap3A_459 = vector.shape_cast %swap3A_458 : vector<1x1x16xf32> to vector<16xf32>
        %swap3A_460 = vector.shape_cast %mul3A_453 : vector<16xf32> to vector<1x1x16xf32>
        tpu.vector_store %arg6[%swap3A_455, %swap3A_456, %swap3A_457], %swap3A_460 {strides = array<i32>} : memref<5x128x128xf32, #tpu.memory_space<vmem>>, vector<1x1x16xf32>,
        %get3A_461 = arith.constant 2 : i32
        %get3A_462 = arith.index_cast %get3A_461 : i32 to index
        %get3A_463 = arith.index_cast %scan3A_366 : i32 to index
        %get3A_464 = arith.constant 96 : index
        %get3A_465 = tpu.vector_load %arg6[%get3A_462, %get3A_463, %get3A_464] {strides = array<i32>} : memref<5x128x128xf32, #tpu.memory_space<vmem>>, vector<1x1x16xf32>,
        %get3A_466 = vector.shape_cast %get3A_465 : vector<1x1x16xf32> to vector<16xf32>
        %mul3A_467 = arith.constant 11.3137083 : f32
        %mul3A_468 = vector.broadcast %mul3A_467 : f32 to vector<16xf32>
        %mul3A_469 = arith.mulf %get3A_466, %mul3A_468 : vector<16xf32>
        %swap3A_470 = arith.constant 2 : i32
        %swap3A_471 = arith.index_cast %swap3A_470 : i32 to index
        %swap3A_472 = arith.index_cast %scan3A_366 : i32 to index
        %swap3A_473 = arith.constant 96 : index
        %swap3A_474 = tpu.vector_load %arg6[%swap3A_471, %swap3A_472, %swap3A_473] {strides = array<i32>} : memref<5x128x128xf32, #tpu.memory_space<vmem>>, vector<1x1x16xf32>,
        %swap3A_475 = vector.shape_cast %swap3A_474 : vector<1x1x16xf32> to vector<16xf32>
        %swap3A_476 = vector.shape_cast %mul3A_469 : vector<16xf32> to vector<1x1x16xf32>
        tpu.vector_store %arg6[%swap3A_471, %swap3A_472, %swap3A_473], %swap3A_476 {strides = array<i32>} : memref<5x128x128xf32, #tpu.memory_space<vmem>>, vector<1x1x16xf32>,
        %get3A_477 = arith.constant 2 : i32
        %get3A_478 = arith.index_cast %get3A_477 : i32 to index
        %get3A_479 = arith.index_cast %scan3A_366 : i32 to index
        %get3A_480 = arith.constant 112 : index
        %get3A_481 = tpu.vector_load %arg6[%get3A_478, %get3A_479, %get3A_480] {strides = array<i32>} : memref<5x128x128xf32, #tpu.memory_space<vmem>>, vector<1x1x16xf32>,
        %get3A_482 = vector.shape_cast %get3A_481 : vector<1x1x16xf32> to vector<16xf32>
        %mul3A_483 = arith.constant 11.3137083 : f32
        %mul3A_484 = vector.broadcast %mul3A_483 : f32 to vector<16xf32>
        %mul3A_485 = arith.mulf %get3A_482, %mul3A_484 : vector<16xf32>
        %swap3A_486 = arith.constant 2 : i32
        %swap3A_487 = arith.index_cast %swap3A_486 : i32 to index
        %swap3A_488 = arith.index_cast %scan3A_366 : i32 to index
        %swap3A_489 = arith.constant 112 : index
        %swap3A_490 = tpu.vector_load %arg6[%swap3A_487, %swap3A_488, %swap3A_489] {strides = array<i32>} : memref<5x128x128xf32, #tpu.memory_space<vmem>>, vector<1x1x16xf32>,
        %swap3A_491 = vector.shape_cast %swap3A_490 : vector<1x1x16xf32> to vector<16xf32>
        %swap3A_492 = vector.shape_cast %mul3A_485 : vector<16xf32> to vector<1x1x16xf32>
        tpu.vector_store %arg6[%swap3A_487, %swap3A_488, %swap3A_489], %swap3A_492 {strides = array<i32>} : memref<5x128x128xf32, #tpu.memory_space<vmem>>, vector<1x1x16xf32>,
      }
      %scan3A_250 = arith.constant 128 : i32
      %mul3A_251 = arith.constant 128 : i32
      %mul3A_252 = arith.muli %add3A_223, %mul3A_251 : i32
      %add3A_253 = arith.addi %mul3A_2, %mul3A_252 : i32
      %dma_start3A_254 = arith.constant 2 : i32
      %dma_start3A_255 = arith.constant 2 : i32
      %dma_start3A_256 = arith.constant 0 : i32
      %dma_start3A_257 = arith.constant 0 : i32
      %dma_start3A_258 = tpu.memref_slice %arg6[%dma_start3A_254, %dma_start3A_256, %dma_start3A_257] : memref<5x128x128xf32, #tpu.memory_space<vmem>> -> memref<1x128x128xf32, #tpu.memory_space<vmem>>
      %dma_start3A_259 = tpu.memref_squeeze %dma_start3A_258 : memref<1x128x128xf32, #tpu.memory_space<vmem>> -> memref<128x128xf32, #tpu.memory_space<vmem>>
      %dma_start3A_260 = arith.constant 0 : i32
      %dma_start3A_261 = tpu.memref_slice %arg4[%add3A_253, %dma_start3A_260] : memref<204800x128xf32, #tpu.memory_space<hbm>> -> memref<128x128xf32, #tpu.memory_space<hbm>>
      %dma_start3A_262 = tpu.memref_slice %arg8[%dma_start3A_255] : memref<5x!tpu.dma_semaphore, #tpu.memory_space<semaphore_mem>> -> memref<1x!tpu.dma_semaphore, #tpu.memory_space<semaphore_mem>>
      %dma_start3A_263 = tpu.memref_squeeze %dma_start3A_262 : memref<1x!tpu.dma_semaphore, #tpu.memory_space<semaphore_mem>> -> memref<!tpu.dma_semaphore, #tpu.memory_space<semaphore_mem>>
      %dma_start3A_264 = arith.constant 0 : i32
      %dma_start3A_265 = tpu.memref_slice %arg4[%add3A_253, %dma_start3A_264] : memref<204800x128xf32, #tpu.memory_space<hbm>> -> memref<128x128xf32, #tpu.memory_space<hbm>>
      %dma_start3A_266 = arith.constant 0 : i32
      %dma_start3A_267 = arith.constant 0 : i32
      %dma_start3A_268 = tpu.memref_slice %arg6[%dma_start3A_254, %dma_start3A_266, %dma_start3A_267] : memref<5x128x128xf32, #tpu.memory_space<vmem>> -> memref<1x128x128xf32, #tpu.memory_space<vmem>>
      %dma_start3A_269 = tpu.memref_squeeze %dma_start3A_268 : memref<1x128x128xf32, #tpu.memory_space<vmem>> -> memref<128x128xf32, #tpu.memory_space<vmem>>
      tpu.enqueue_dma source(%dma_start3A_269 : memref<128x128xf32, #tpu.memory_space<vmem>>) target(%dma_start3A_265 : memref<128x128xf32, #tpu.memory_space<hbm>>) target_semaphore(%dma_start3A_263 : memref<!tpu.dma_semaphore, #tpu.memory_space<semaphore_mem>>)
      %add3A_270 = arith.constant 3 : i32
      %add3A_271 = arith.addi %mul3A_128, %add3A_270 : i32
      %add3A_272 = arith.constant 2 : i32
      %add3A_273 = arith.addi %add3A_271, %add3A_272 : i32
      %lt3A_274 = arith.constant 50 : i32
      %lt3A_275 = arith.cmpi slt, %add3A_273, %lt3A_274 : i32
      %convert_element_type3A_276 = arith.extui %lt3A_275 : i1 to i32
      %cond3A_277 = arith.constant 0 : i32
      %cond3A_278 = arith.cmpi ne, %convert_element_type3A_276, %cond3A_277 : i32
      scf.if %cond3A_278 {
        %ge3A = arith.constant 3 : i32
        %ge3A_366 = arith.cmpi sge, %add3A_271, %ge3A : i32
        %convert_element_type3A_367 = arith.extui %ge3A_366 : i1 to i32
        %cond3A_368 = arith.constant 0 : i32
        %cond3A_369 = arith.cmpi ne, %convert_element_type3A_367, %cond3A_368 : i32
        scf.if %cond3A_369 {
          %sub3A = arith.constant 3 : i32
          %sub3A_386 = arith.subi %add3A_271, %sub3A : i32
          %mul3A_387 = arith.constant 128 : i32
          %mul3A_388 = arith.muli %sub3A_386, %mul3A_387 : i32
          %add3A_389 = arith.addi %mul3A_2, %mul3A_388 : i32
          %dma_wait3A_390 = arith.constant 0 : i32
          %dma_wait3A_391 = arith.constant 0 : i32
          %dma_wait3A_392 = arith.constant 0 : i32
          %dma_wait3A_393 = arith.constant 0 : i32
          %dma_wait3A_394 = tpu.memref_slice %arg6[%dma_wait3A_390, %dma_wait3A_392, %dma_wait3A_393] : memref<5x128x128xf32, #tpu.memory_space<vmem>> -> memref<1x128x128xf32, #tpu.memory_space<vmem>>
          %dma_wait3A_395 = tpu.memref_squeeze %dma_wait3A_394 : memref<1x128x128xf32, #tpu.memory_space<vmem>> -> memref<128x128xf32, #tpu.memory_space<vmem>>
          %dma_wait3A_396 = arith.constant 0 : i32
          %dma_wait3A_397 = tpu.memref_slice %arg4[%add3A_389, %dma_wait3A_396] : memref<204800x128xf32, #tpu.memory_space<hbm>> -> memref<128x128xf32, #tpu.memory_space<hbm>>
          %dma_wait3A_398 = tpu.memref_slice %arg8[%dma_wait3A_391] : memref<5x!tpu.dma_semaphore, #tpu.memory_space<semaphore_mem>> -> memref<1x!tpu.dma_semaphore, #tpu.memory_space<semaphore_mem>>
          %dma_wait3A_399 = tpu.memref_squeeze %dma_wait3A_398 : memref<1x!tpu.dma_semaphore, #tpu.memory_space<semaphore_mem>> -> memref<!tpu.dma_semaphore, #tpu.memory_space<semaphore_mem>>
          %dma_wait3A_400 = arith.constant 0 : i32
          %dma_wait3A_401 = tpu.memref_slice %arg4[%add3A_389, %dma_wait3A_400] : memref<204800x128xf32, #tpu.memory_space<hbm>> -> memref<128x128xf32, #tpu.memory_space<hbm>>
          %dma_wait3A_402 = arith.constant 0 : i32
          %dma_wait3A_403 = arith.constant 0 : i32
          %dma_wait3A_404 = tpu.memref_slice %arg6[%dma_wait3A_390, %dma_wait3A_402, %dma_wait3A_403] : memref<5x128x128xf32, #tpu.memory_space<vmem>> -> memref<1x128x128xf32, #tpu.memory_space<vmem>>
          %dma_wait3A_405 = tpu.memref_squeeze %dma_wait3A_404 : memref<1x128x128xf32, #tpu.memory_space<vmem>> -> memref<128x128xf32, #tpu.memory_space<vmem>>
          tpu.wait_dma2 semaphore(%dma_wait3A_399 : memref<!tpu.dma_semaphore, #tpu.memory_space<semaphore_mem>>) src(%dma_wait3A_405 : memref<128x128xf32, #tpu.memory_space<vmem>>) dst(%dma_wait3A_401 : memref<128x128xf32, #tpu.memory_space<hbm>>)
        } else {
        }
        %add3A_370 = arith.constant 2 : i32
        %add3A_371 = arith.addi %add3A_271, %add3A_370 : i32
        %dma_start3A_372 = arith.constant 0 : i32
        %dma_start3A_373 = arith.constant 0 : i32
        %dma_start3A_374 = arith.constant 0 : i32
        %dma_start3A_375 = arith.constant 0 : i32
        %dma_start3A_376 = tpu.memref_slice %arg6[%dma_start3A_372, %dma_start3A_374, %dma_start3A_375] : memref<5x128x128xf32, #tpu.memory_space<vmem>> -> memref<1x128x128xf32, #tpu.memory_space<vmem>>
        %dma_start3A_377 = tpu.memref_squeeze %dma_start3A_376 : memref<1x128x128xf32, #tpu.memory_space<vmem>> -> memref<128x128xf32, #tpu.memory_space<vmem>>
        %dma_start3A_378 = arith.constant 0 : i32
        %dma_start3A_379 = tpu.memref_slice %arg5[%add3A_371, %dma_start3A_378] : memref<50x128xi32, #tpu.memory_space<vmem>> -> memref<1x128xi32, #tpu.memory_space<vmem>>
        %dma_start3A_380 = tpu.memref_squeeze %dma_start3A_379 : memref<1x128xi32, #tpu.memory_space<vmem>> -> memref<128xi32, #tpu.memory_space<vmem>>
        %dma_start3A_381 = arith.constant 0 : i32
        %dma_start3A_382 = arith.constant 0 : i32
        %dma_start3A_383 = tpu.memref_slice %arg3[%dma_start3A_381, %dma_start3A_382] : memref<100000x128xf32, #tpu.memory_space<hbm>> -> memref<100000x128xf32, #tpu.memory_space<hbm>>
        %dma_start3A_384 = tpu.memref_slice %arg7[%dma_start3A_373] : memref<5x!tpu.dma_semaphore, #tpu.memory_space<semaphore_mem>> -> memref<1x!tpu.dma_semaphore, #tpu.memory_space<semaphore_mem>>
        %dma_start3A_385 = tpu.memref_squeeze %dma_start3A_384 : memref<1x!tpu.dma_semaphore, #tpu.memory_space<semaphore_mem>> -> memref<!tpu.dma_semaphore, #tpu.memory_space<semaphore_mem>>
        tpu.enqueue_indirect_dma source(%dma_start3A_383 : memref<100000x128xf32, #tpu.memory_space<hbm>>) target(%dma_start3A_377 : memref<128x128xf32, #tpu.memory_space<vmem>>) offsets(%dma_start3A_380 : memref<128xi32, #tpu.memory_space<vmem>>) semaphore(%dma_start3A_385 : memref<!tpu.dma_semaphore, #tpu.memory_space<semaphore_mem>>)
      } else {
      }
      %dma_wait3A_279 = arith.constant 3 : i32
      %dma_wait3A_280 = arith.constant 3 : i32
      %dma_wait3A_281 = arith.constant 0 : i32
      %dma_wait3A_282 = arith.constant 0 : i32
      %dma_wait3A_283 = tpu.memref_slice %arg6[%dma_wait3A_279, %dma_wait3A_281, %dma_wait3A_282] : memref<5x128x128xf32, #tpu.memory_space<vmem>> -> memref<1x128x128xf32, #tpu.memory_space<vmem>>
      %dma_wait3A_284 = tpu.memref_squeeze %dma_wait3A_283 : memref<1x128x128xf32, #tpu.memory_space<vmem>> -> memref<128x128xf32, #tpu.memory_space<vmem>>
      %dma_wait3A_285 = arith.constant 0 : i32
      %dma_wait3A_286 = tpu.memref_slice %arg5[%add3A_271, %dma_wait3A_285] : memref<50x128xi32, #tpu.memory_space<vmem>> -> memref<1x128xi32, #tpu.memory_space<vmem>>
      %dma_wait3A_287 = tpu.memref_squeeze %dma_wait3A_286 : memref<1x128xi32, #tpu.memory_space<vmem>> -> memref<128xi32, #tpu.memory_space<vmem>>
      %dma_wait3A_288 = arith.constant 0 : i32
      %dma_wait3A_289 = arith.constant 0 : i32
      %dma_wait3A_290 = tpu.memref_slice %arg3[%dma_wait3A_288, %dma_wait3A_289] : memref<100000x128xf32, #tpu.memory_space<hbm>> -> memref<100000x128xf32, #tpu.memory_space<hbm>>
      %dma_wait3A_291 = tpu.memref_slice %arg7[%dma_wait3A_280] : memref<5x!tpu.dma_semaphore, #tpu.memory_space<semaphore_mem>> -> memref<1x!tpu.dma_semaphore, #tpu.memory_space<semaphore_mem>>
      %dma_wait3A_292 = tpu.memref_squeeze %dma_wait3A_291 : memref<1x!tpu.dma_semaphore, #tpu.memory_space<semaphore_mem>> -> memref<!tpu.dma_semaphore, #tpu.memory_space<semaphore_mem>>
      tpu.wait_indirect_dma semaphore(%dma_wait3A_292 : memref<!tpu.dma_semaphore, #tpu.memory_space<semaphore_mem>>) src(%dma_wait3A_290 : memref<100000x128xf32, #tpu.memory_space<hbm>>) dst(%dma_wait3A_284 : memref<128x128xf32, #tpu.memory_space<vmem>>)
      %scan3A_293 = arith.constant 0 : i32
      %scan3A_294 = arith.constant 0 : i32
      %scan3A_295 = arith.constant 128 : i32
      %scan3A_296 = arith.addi %scan3A_294, %scan3A_295 : i32
      %scan3A_297 = arith.constant 1 : i32
      scf.for %scan3A_366 = %scan3A_294 to %scan3A_296 step %scan3A_297  : i32 {
        %get3A = arith.constant 3 : i32
        %get3A_367 = arith.index_cast %get3A : i32 to index
        %get3A_368 = arith.index_cast %scan3A_366 : i32 to index
        %get3A_369 = arith.constant 0 : index
        %get3A_370 = tpu.vector_load %arg6[%get3A_367, %get3A_368, %get3A_369] {strides = array<i32>} : memref<5x128x128xf32, #tpu.memory_space<vmem>>, vector<1x1x16xf32>,
        %get3A_371 = vector.shape_cast %get3A_370 : vector<1x1x16xf32> to vector<16xf32>
        %mul3A_372 = arith.constant 11.3137083 : f32
        %mul3A_373 = vector.broadcast %mul3A_372 : f32 to vector<16xf32>
        %mul3A_374 = arith.mulf %get3A_371, %mul3A_373 : vector<16xf32>
        %swap3A = arith.constant 3 : i32
        %swap3A_375 = arith.index_cast %swap3A : i32 to index
        %swap3A_376 = arith.index_cast %scan3A_366 : i32 to index
        %swap3A_377 = arith.constant 0 : index
        %swap3A_378 = tpu.vector_load %arg6[%swap3A_375, %swap3A_376, %swap3A_377] {strides = array<i32>} : memref<5x128x128xf32, #tpu.memory_space<vmem>>, vector<1x1x16xf32>,
        %swap3A_379 = vector.shape_cast %swap3A_378 : vector<1x1x16xf32> to vector<16xf32>
        %swap3A_380 = vector.shape_cast %mul3A_374 : vector<16xf32> to vector<1x1x16xf32>
        tpu.vector_store %arg6[%swap3A_375, %swap3A_376, %swap3A_377], %swap3A_380 {strides = array<i32>} : memref<5x128x128xf32, #tpu.memory_space<vmem>>, vector<1x1x16xf32>,
        %get3A_381 = arith.constant 3 : i32
        %get3A_382 = arith.index_cast %get3A_381 : i32 to index
        %get3A_383 = arith.index_cast %scan3A_366 : i32 to index
        %get3A_384 = arith.constant 16 : index
        %get3A_385 = tpu.vector_load %arg6[%get3A_382, %get3A_383, %get3A_384] {strides = array<i32>} : memref<5x128x128xf32, #tpu.memory_space<vmem>>, vector<1x1x16xf32>,
        %get3A_386 = vector.shape_cast %get3A_385 : vector<1x1x16xf32> to vector<16xf32>
        %mul3A_387 = arith.constant 11.3137083 : f32
        %mul3A_388 = vector.broadcast %mul3A_387 : f32 to vector<16xf32>
        %mul3A_389 = arith.mulf %get3A_386, %mul3A_388 : vector<16xf32>
        %swap3A_390 = arith.constant 3 : i32
        %swap3A_391 = arith.index_cast %swap3A_390 : i32 to index
        %swap3A_392 = arith.index_cast %scan3A_366 : i32 to index
        %swap3A_393 = arith.constant 16 : index
        %swap3A_394 = tpu.vector_load %arg6[%swap3A_391, %swap3A_392, %swap3A_393] {strides = array<i32>} : memref<5x128x128xf32, #tpu.memory_space<vmem>>, vector<1x1x16xf32>,
        %swap3A_395 = vector.shape_cast %swap3A_394 : vector<1x1x16xf32> to vector<16xf32>
        %swap3A_396 = vector.shape_cast %mul3A_389 : vector<16xf32> to vector<1x1x16xf32>
        tpu.vector_store %arg6[%swap3A_391, %swap3A_392, %swap3A_393], %swap3A_396 {strides = array<i32>} : memref<5x128x128xf32, #tpu.memory_space<vmem>>, vector<1x1x16xf32>,
        %get3A_397 = arith.constant 3 : i32
        %get3A_398 = arith.index_cast %get3A_397 : i32 to index
        %get3A_399 = arith.index_cast %scan3A_366 : i32 to index
        %get3A_400 = arith.constant 32 : index
        %get3A_401 = tpu.vector_load %arg6[%get3A_398, %get3A_399, %get3A_400] {strides = array<i32>} : memref<5x128x128xf32, #tpu.memory_space<vmem>>, vector<1x1x16xf32>,
        %get3A_402 = vector.shape_cast %get3A_401 : vector<1x1x16xf32> to vector<16xf32>
        %mul3A_403 = arith.constant 11.3137083 : f32
        %mul3A_404 = vector.broadcast %mul3A_403 : f32 to vector<16xf32>
        %mul3A_405 = arith.mulf %get3A_402, %mul3A_404 : vector<16xf32>
        %swap3A_406 = arith.constant 3 : i32
        %swap3A_407 = arith.index_cast %swap3A_406 : i32 to index
        %swap3A_408 = arith.index_cast %scan3A_366 : i32 to index
        %swap3A_409 = arith.constant 32 : index
        %swap3A_410 = tpu.vector_load %arg6[%swap3A_407, %swap3A_408, %swap3A_409] {strides = array<i32>} : memref<5x128x128xf32, #tpu.memory_space<vmem>>, vector<1x1x16xf32>,
        %swap3A_411 = vector.shape_cast %swap3A_410 : vector<1x1x16xf32> to vector<16xf32>
        %swap3A_412 = vector.shape_cast %mul3A_405 : vector<16xf32> to vector<1x1x16xf32>
        tpu.vector_store %arg6[%swap3A_407, %swap3A_408, %swap3A_409], %swap3A_412 {strides = array<i32>} : memref<5x128x128xf32, #tpu.memory_space<vmem>>, vector<1x1x16xf32>,
        %get3A_413 = arith.constant 3 : i32
        %get3A_414 = arith.index_cast %get3A_413 : i32 to index
        %get3A_415 = arith.index_cast %scan3A_366 : i32 to index
        %get3A_416 = arith.constant 48 : index
        %get3A_417 = tpu.vector_load %arg6[%get3A_414, %get3A_415, %get3A_416] {strides = array<i32>} : memref<5x128x128xf32, #tpu.memory_space<vmem>>, vector<1x1x16xf32>,
        %get3A_418 = vector.shape_cast %get3A_417 : vector<1x1x16xf32> to vector<16xf32>
        %mul3A_419 = arith.constant 11.3137083 : f32
        %mul3A_420 = vector.broadcast %mul3A_419 : f32 to vector<16xf32>
        %mul3A_421 = arith.mulf %get3A_418, %mul3A_420 : vector<16xf32>
        %swap3A_422 = arith.constant 3 : i32
        %swap3A_423 = arith.index_cast %swap3A_422 : i32 to index
        %swap3A_424 = arith.index_cast %scan3A_366 : i32 to index
        %swap3A_425 = arith.constant 48 : index
        %swap3A_426 = tpu.vector_load %arg6[%swap3A_423, %swap3A_424, %swap3A_425] {strides = array<i32>} : memref<5x128x128xf32, #tpu.memory_space<vmem>>, vector<1x1x16xf32>,
        %swap3A_427 = vector.shape_cast %swap3A_426 : vector<1x1x16xf32> to vector<16xf32>
        %swap3A_428 = vector.shape_cast %mul3A_421 : vector<16xf32> to vector<1x1x16xf32>
        tpu.vector_store %arg6[%swap3A_423, %swap3A_424, %swap3A_425], %swap3A_428 {strides = array<i32>} : memref<5x128x128xf32, #tpu.memory_space<vmem>>, vector<1x1x16xf32>,
        %get3A_429 = arith.constant 3 : i32
        %get3A_430 = arith.index_cast %get3A_429 : i32 to index
        %get3A_431 = arith.index_cast %scan3A_366 : i32 to index
        %get3A_432 = arith.constant 64 : index
        %get3A_433 = tpu.vector_load %arg6[%get3A_430, %get3A_431, %get3A_432] {strides = array<i32>} : memref<5x128x128xf32, #tpu.memory_space<vmem>>, vector<1x1x16xf32>,
        %get3A_434 = vector.shape_cast %get3A_433 : vector<1x1x16xf32> to vector<16xf32>
        %mul3A_435 = arith.constant 11.3137083 : f32
        %mul3A_436 = vector.broadcast %mul3A_435 : f32 to vector<16xf32>
        %mul3A_437 = arith.mulf %get3A_434, %mul3A_436 : vector<16xf32>
        %swap3A_438 = arith.constant 3 : i32
        %swap3A_439 = arith.index_cast %swap3A_438 : i32 to index
        %swap3A_440 = arith.index_cast %scan3A_366 : i32 to index
        %swap3A_441 = arith.constant 64 : index
        %swap3A_442 = tpu.vector_load %arg6[%swap3A_439, %swap3A_440, %swap3A_441] {strides = array<i32>} : memref<5x128x128xf32, #tpu.memory_space<vmem>>, vector<1x1x16xf32>,
        %swap3A_443 = vector.shape_cast %swap3A_442 : vector<1x1x16xf32> to vector<16xf32>
        %swap3A_444 = vector.shape_cast %mul3A_437 : vector<16xf32> to vector<1x1x16xf32>
        tpu.vector_store %arg6[%swap3A_439, %swap3A_440, %swap3A_441], %swap3A_444 {strides = array<i32>} : memref<5x128x128xf32, #tpu.memory_space<vmem>>, vector<1x1x16xf32>,
        %get3A_445 = arith.constant 3 : i32
        %get3A_446 = arith.index_cast %get3A_445 : i32 to index
        %get3A_447 = arith.index_cast %scan3A_366 : i32 to index
        %get3A_448 = arith.constant 80 : index
        %get3A_449 = tpu.vector_load %arg6[%get3A_446, %get3A_447, %get3A_448] {strides = array<i32>} : memref<5x128x128xf32, #tpu.memory_space<vmem>>, vector<1x1x16xf32>,
        %get3A_450 = vector.shape_cast %get3A_449 : vector<1x1x16xf32> to vector<16xf32>
        %mul3A_451 = arith.constant 11.3137083 : f32
        %mul3A_452 = vector.broadcast %mul3A_451 : f32 to vector<16xf32>
        %mul3A_453 = arith.mulf %get3A_450, %mul3A_452 : vector<16xf32>
        %swap3A_454 = arith.constant 3 : i32
        %swap3A_455 = arith.index_cast %swap3A_454 : i32 to index
        %swap3A_456 = arith.index_cast %scan3A_366 : i32 to index
        %swap3A_457 = arith.constant 80 : index
        %swap3A_458 = tpu.vector_load %arg6[%swap3A_455, %swap3A_456, %swap3A_457] {strides = array<i32>} : memref<5x128x128xf32, #tpu.memory_space<vmem>>, vector<1x1x16xf32>,
        %swap3A_459 = vector.shape_cast %swap3A_458 : vector<1x1x16xf32> to vector<16xf32>
        %swap3A_460 = vector.shape_cast %mul3A_453 : vector<16xf32> to vector<1x1x16xf32>
        tpu.vector_store %arg6[%swap3A_455, %swap3A_456, %swap3A_457], %swap3A_460 {strides = array<i32>} : memref<5x128x128xf32, #tpu.memory_space<vmem>>, vector<1x1x16xf32>,
        %get3A_461 = arith.constant 3 : i32
        %get3A_462 = arith.index_cast %get3A_461 : i32 to index
        %get3A_463 = arith.index_cast %scan3A_366 : i32 to index
        %get3A_464 = arith.constant 96 : index
        %get3A_465 = tpu.vector_load %arg6[%get3A_462, %get3A_463, %get3A_464] {strides = array<i32>} : memref<5x128x128xf32, #tpu.memory_space<vmem>>, vector<1x1x16xf32>,
        %get3A_466 = vector.shape_cast %get3A_465 : vector<1x1x16xf32> to vector<16xf32>
        %mul3A_467 = arith.constant 11.3137083 : f32
        %mul3A_468 = vector.broadcast %mul3A_467 : f32 to vector<16xf32>
        %mul3A_469 = arith.mulf %get3A_466, %mul3A_468 : vector<16xf32>
        %swap3A_470 = arith.constant 3 : i32
        %swap3A_471 = arith.index_cast %swap3A_470 : i32 to index
        %swap3A_472 = arith.index_cast %scan3A_366 : i32 to index
        %swap3A_473 = arith.constant 96 : index
        %swap3A_474 = tpu.vector_load %arg6[%swap3A_471, %swap3A_472, %swap3A_473] {strides = array<i32>} : memref<5x128x128xf32, #tpu.memory_space<vmem>>, vector<1x1x16xf32>,
        %swap3A_475 = vector.shape_cast %swap3A_474 : vector<1x1x16xf32> to vector<16xf32>
        %swap3A_476 = vector.shape_cast %mul3A_469 : vector<16xf32> to vector<1x1x16xf32>
        tpu.vector_store %arg6[%swap3A_471, %swap3A_472, %swap3A_473], %swap3A_476 {strides = array<i32>} : memref<5x128x128xf32, #tpu.memory_space<vmem>>, vector<1x1x16xf32>,
        %get3A_477 = arith.constant 3 : i32
        %get3A_478 = arith.index_cast %get3A_477 : i32 to index
        %get3A_479 = arith.index_cast %scan3A_366 : i32 to index
        %get3A_480 = arith.constant 112 : index
        %get3A_481 = tpu.vector_load %arg6[%get3A_478, %get3A_479, %get3A_480] {strides = array<i32>} : memref<5x128x128xf32, #tpu.memory_space<vmem>>, vector<1x1x16xf32>,
        %get3A_482 = vector.shape_cast %get3A_481 : vector<1x1x16xf32> to vector<16xf32>
        %mul3A_483 = arith.constant 11.3137083 : f32
        %mul3A_484 = vector.broadcast %mul3A_483 : f32 to vector<16xf32>
        %mul3A_485 = arith.mulf %get3A_482, %mul3A_484 : vector<16xf32>
        %swap3A_486 = arith.constant 3 : i32
        %swap3A_487 = arith.index_cast %swap3A_486 : i32 to index
        %swap3A_488 = arith.index_cast %scan3A_366 : i32 to index
        %swap3A_489 = arith.constant 112 : index
        %swap3A_490 = tpu.vector_load %arg6[%swap3A_487, %swap3A_488, %swap3A_489] {strides = array<i32>} : memref<5x128x128xf32, #tpu.memory_space<vmem>>, vector<1x1x16xf32>,
        %swap3A_491 = vector.shape_cast %swap3A_490 : vector<1x1x16xf32> to vector<16xf32>
        %swap3A_492 = vector.shape_cast %mul3A_485 : vector<16xf32> to vector<1x1x16xf32>
        tpu.vector_store %arg6[%swap3A_487, %swap3A_488, %swap3A_489], %swap3A_492 {strides = array<i32>} : memref<5x128x128xf32, #tpu.memory_space<vmem>>, vector<1x1x16xf32>,
      }
      %scan3A_298 = arith.constant 128 : i32
      %mul3A_299 = arith.constant 128 : i32
      %mul3A_300 = arith.muli %add3A_271, %mul3A_299 : i32
      %add3A_301 = arith.addi %mul3A_2, %mul3A_300 : i32
      %dma_start3A_302 = arith.constant 3 : i32
      %dma_start3A_303 = arith.constant 3 : i32
      %dma_start3A_304 = arith.constant 0 : i32
      %dma_start3A_305 = arith.constant 0 : i32
      %dma_start3A_306 = tpu.memref_slice %arg6[%dma_start3A_302, %dma_start3A_304, %dma_start3A_305] : memref<5x128x128xf32, #tpu.memory_space<vmem>> -> memref<1x128x128xf32, #tpu.memory_space<vmem>>
      %dma_start3A_307 = tpu.memref_squeeze %dma_start3A_306 : memref<1x128x128xf32, #tpu.memory_space<vmem>> -> memref<128x128xf32, #tpu.memory_space<vmem>>
      %dma_start3A_308 = arith.constant 0 : i32
      %dma_start3A_309 = tpu.memref_slice %arg4[%add3A_301, %dma_start3A_308] : memref<204800x128xf32, #tpu.memory_space<hbm>> -> memref<128x128xf32, #tpu.memory_space<hbm>>
      %dma_start3A_310 = tpu.memref_slice %arg8[%dma_start3A_303] : memref<5x!tpu.dma_semaphore, #tpu.memory_space<semaphore_mem>> -> memref<1x!tpu.dma_semaphore, #tpu.memory_space<semaphore_mem>>
      %dma_start3A_311 = tpu.memref_squeeze %dma_start3A_310 : memref<1x!tpu.dma_semaphore, #tpu.memory_space<semaphore_mem>> -> memref<!tpu.dma_semaphore, #tpu.memory_space<semaphore_mem>>
      %dma_start3A_312 = arith.constant 0 : i32
      %dma_start3A_313 = tpu.memref_slice %arg4[%add3A_301, %dma_start3A_312] : memref<204800x128xf32, #tpu.memory_space<hbm>> -> memref<128x128xf32, #tpu.memory_space<hbm>>
      %dma_start3A_314 = arith.constant 0 : i32
      %dma_start3A_315 = arith.constant 0 : i32
      %dma_start3A_316 = tpu.memref_slice %arg6[%dma_start3A_302, %dma_start3A_314, %dma_start3A_315] : memref<5x128x128xf32, #tpu.memory_space<vmem>> -> memref<1x128x128xf32, #tpu.memory_space<vmem>>
      %dma_start3A_317 = tpu.memref_squeeze %dma_start3A_316 : memref<1x128x128xf32, #tpu.memory_space<vmem>> -> memref<128x128xf32, #tpu.memory_space<vmem>>
      tpu.enqueue_dma source(%dma_start3A_317 : memref<128x128xf32, #tpu.memory_space<vmem>>) target(%dma_start3A_313 : memref<128x128xf32, #tpu.memory_space<hbm>>) target_semaphore(%dma_start3A_311 : memref<!tpu.dma_semaphore, #tpu.memory_space<semaphore_mem>>)
      %add3A_318 = arith.constant 4 : i32
      %add3A_319 = arith.addi %mul3A_128, %add3A_318 : i32
      %add3A_320 = arith.constant 2 : i32
      %add3A_321 = arith.addi %add3A_319, %add3A_320 : i32
      %lt3A_322 = arith.constant 50 : i32
      %lt3A_323 = arith.cmpi slt, %add3A_321, %lt3A_322 : i32
      %convert_element_type3A_324 = arith.extui %lt3A_323 : i1 to i32
      %cond3A_325 = arith.constant 0 : i32
      %cond3A_326 = arith.cmpi ne, %convert_element_type3A_324, %cond3A_325 : i32
      scf.if %cond3A_326 {
        %ge3A = arith.constant 3 : i32
        %ge3A_366 = arith.cmpi sge, %add3A_319, %ge3A : i32
        %convert_element_type3A_367 = arith.extui %ge3A_366 : i1 to i32
        %cond3A_368 = arith.constant 0 : i32
        %cond3A_369 = arith.cmpi ne, %convert_element_type3A_367, %cond3A_368 : i32
        scf.if %cond3A_369 {
          %sub3A = arith.constant 3 : i32
          %sub3A_386 = arith.subi %add3A_319, %sub3A : i32
          %mul3A_387 = arith.constant 128 : i32
          %mul3A_388 = arith.muli %sub3A_386, %mul3A_387 : i32
          %add3A_389 = arith.addi %mul3A_2, %mul3A_388 : i32
          %dma_wait3A_390 = arith.constant 1 : i32
          %dma_wait3A_391 = arith.constant 1 : i32
          %dma_wait3A_392 = arith.constant 0 : i32
          %dma_wait3A_393 = arith.constant 0 : i32
          %dma_wait3A_394 = tpu.memref_slice %arg6[%dma_wait3A_390, %dma_wait3A_392, %dma_wait3A_393] : memref<5x128x128xf32, #tpu.memory_space<vmem>> -> memref<1x128x128xf32, #tpu.memory_space<vmem>>
          %dma_wait3A_395 = tpu.memref_squeeze %dma_wait3A_394 : memref<1x128x128xf32, #tpu.memory_space<vmem>> -> memref<128x128xf32, #tpu.memory_space<vmem>>
          %dma_wait3A_396 = arith.constant 0 : i32
          %dma_wait3A_397 = tpu.memref_slice %arg4[%add3A_389, %dma_wait3A_396] : memref<204800x128xf32, #tpu.memory_space<hbm>> -> memref<128x128xf32, #tpu.memory_space<hbm>>
          %dma_wait3A_398 = tpu.memref_slice %arg8[%dma_wait3A_391] : memref<5x!tpu.dma_semaphore, #tpu.memory_space<semaphore_mem>> -> memref<1x!tpu.dma_semaphore, #tpu.memory_space<semaphore_mem>>
          %dma_wait3A_399 = tpu.memref_squeeze %dma_wait3A_398 : memref<1x!tpu.dma_semaphore, #tpu.memory_space<semaphore_mem>> -> memref<!tpu.dma_semaphore, #tpu.memory_space<semaphore_mem>>
          %dma_wait3A_400 = arith.constant 0 : i32
          %dma_wait3A_401 = tpu.memref_slice %arg4[%add3A_389, %dma_wait3A_400] : memref<204800x128xf32, #tpu.memory_space<hbm>> -> memref<128x128xf32, #tpu.memory_space<hbm>>
          %dma_wait3A_402 = arith.constant 0 : i32
          %dma_wait3A_403 = arith.constant 0 : i32
          %dma_wait3A_404 = tpu.memref_slice %arg6[%dma_wait3A_390, %dma_wait3A_402, %dma_wait3A_403] : memref<5x128x128xf32, #tpu.memory_space<vmem>> -> memref<1x128x128xf32, #tpu.memory_space<vmem>>
          %dma_wait3A_405 = tpu.memref_squeeze %dma_wait3A_404 : memref<1x128x128xf32, #tpu.memory_space<vmem>> -> memref<128x128xf32, #tpu.memory_space<vmem>>
          tpu.wait_dma2 semaphore(%dma_wait3A_399 : memref<!tpu.dma_semaphore, #tpu.memory_space<semaphore_mem>>) src(%dma_wait3A_405 : memref<128x128xf32, #tpu.memory_space<vmem>>) dst(%dma_wait3A_401 : memref<128x128xf32, #tpu.memory_space<hbm>>)
        } else {
        }
        %add3A_370 = arith.constant 2 : i32
        %add3A_371 = arith.addi %add3A_319, %add3A_370 : i32
        %dma_start3A_372 = arith.constant 1 : i32
        %dma_start3A_373 = arith.constant 1 : i32
        %dma_start3A_374 = arith.constant 0 : i32
        %dma_start3A_375 = arith.constant 0 : i32
        %dma_start3A_376 = tpu.memref_slice %arg6[%dma_start3A_372, %dma_start3A_374, %dma_start3A_375] : memref<5x128x128xf32, #tpu.memory_space<vmem>> -> memref<1x128x128xf32, #tpu.memory_space<vmem>>
        %dma_start3A_377 = tpu.memref_squeeze %dma_start3A_376 : memref<1x128x128xf32, #tpu.memory_space<vmem>> -> memref<128x128xf32, #tpu.memory_space<vmem>>
        %dma_start3A_378 = arith.constant 0 : i32
        %dma_start3A_379 = tpu.memref_slice %arg5[%add3A_371, %dma_start3A_378] : memref<50x128xi32, #tpu.memory_space<vmem>> -> memref<1x128xi32, #tpu.memory_space<vmem>>
        %dma_start3A_380 = tpu.memref_squeeze %dma_start3A_379 : memref<1x128xi32, #tpu.memory_space<vmem>> -> memref<128xi32, #tpu.memory_space<vmem>>
        %dma_start3A_381 = arith.constant 0 : i32
        %dma_start3A_382 = arith.constant 0 : i32
        %dma_start3A_383 = tpu.memref_slice %arg3[%dma_start3A_381, %dma_start3A_382] : memref<100000x128xf32, #tpu.memory_space<hbm>> -> memref<100000x128xf32, #tpu.memory_space<hbm>>
        %dma_start3A_384 = tpu.memref_slice %arg7[%dma_start3A_373] : memref<5x!tpu.dma_semaphore, #tpu.memory_space<semaphore_mem>> -> memref<1x!tpu.dma_semaphore, #tpu.memory_space<semaphore_mem>>
        %dma_start3A_385 = tpu.memref_squeeze %dma_start3A_384 : memref<1x!tpu.dma_semaphore, #tpu.memory_space<semaphore_mem>> -> memref<!tpu.dma_semaphore, #tpu.memory_space<semaphore_mem>>
        tpu.enqueue_indirect_dma source(%dma_start3A_383 : memref<100000x128xf32, #tpu.memory_space<hbm>>) target(%dma_start3A_377 : memref<128x128xf32, #tpu.memory_space<vmem>>) offsets(%dma_start3A_380 : memref<128xi32, #tpu.memory_space<vmem>>) semaphore(%dma_start3A_385 : memref<!tpu.dma_semaphore, #tpu.memory_space<semaphore_mem>>)
      } else {
      }
      %dma_wait3A_327 = arith.constant 4 : i32
      %dma_wait3A_328 = arith.constant 4 : i32
      %dma_wait3A_329 = arith.constant 0 : i32
      %dma_wait3A_330 = arith.constant 0 : i32
      %dma_wait3A_331 = tpu.memref_slice %arg6[%dma_wait3A_327, %dma_wait3A_329, %dma_wait3A_330] : memref<5x128x128xf32, #tpu.memory_space<vmem>> -> memref<1x128x128xf32, #tpu.memory_space<vmem>>
      %dma_wait3A_332 = tpu.memref_squeeze %dma_wait3A_331 : memref<1x128x128xf32, #tpu.memory_space<vmem>> -> memref<128x128xf32, #tpu.memory_space<vmem>>
      %dma_wait3A_333 = arith.constant 0 : i32
      %dma_wait3A_334 = tpu.memref_slice %arg5[%add3A_319, %dma_wait3A_333] : memref<50x128xi32, #tpu.memory_space<vmem>> -> memref<1x128xi32, #tpu.memory_space<vmem>>
      %dma_wait3A_335 = tpu.memref_squeeze %dma_wait3A_334 : memref<1x128xi32, #tpu.memory_space<vmem>> -> memref<128xi32, #tpu.memory_space<vmem>>
      %dma_wait3A_336 = arith.constant 0 : i32
      %dma_wait3A_337 = arith.constant 0 : i32
      %dma_wait3A_338 = tpu.memref_slice %arg3[%dma_wait3A_336, %dma_wait3A_337] : memref<100000x128xf32, #tpu.memory_space<hbm>> -> memref<100000x128xf32, #tpu.memory_space<hbm>>
      %dma_wait3A_339 = tpu.memref_slice %arg7[%dma_wait3A_328] : memref<5x!tpu.dma_semaphore, #tpu.memory_space<semaphore_mem>> -> memref<1x!tpu.dma_semaphore, #tpu.memory_space<semaphore_mem>>
      %dma_wait3A_340 = tpu.memref_squeeze %dma_wait3A_339 : memref<1x!tpu.dma_semaphore, #tpu.memory_space<semaphore_mem>> -> memref<!tpu.dma_semaphore, #tpu.memory_space<semaphore_mem>>
      tpu.wait_indirect_dma semaphore(%dma_wait3A_340 : memref<!tpu.dma_semaphore, #tpu.memory_space<semaphore_mem>>) src(%dma_wait3A_338 : memref<100000x128xf32, #tpu.memory_space<hbm>>) dst(%dma_wait3A_332 : memref<128x128xf32, #tpu.memory_space<vmem>>)
      %scan3A_341 = arith.constant 0 : i32
      %scan3A_342 = arith.constant 0 : i32
      %scan3A_343 = arith.constant 128 : i32
      %scan3A_344 = arith.addi %scan3A_342, %scan3A_343 : i32
      %scan3A_345 = arith.constant 1 : i32
      scf.for %scan3A_366 = %scan3A_342 to %scan3A_344 step %scan3A_345  : i32 {
        %get3A = arith.constant 4 : i32
        %get3A_367 = arith.index_cast %get3A : i32 to index
        %get3A_368 = arith.index_cast %scan3A_366 : i32 to index
        %get3A_369 = arith.constant 0 : index
        %get3A_370 = tpu.vector_load %arg6[%get3A_367, %get3A_368, %get3A_369] {strides = array<i32>} : memref<5x128x128xf32, #tpu.memory_space<vmem>>, vector<1x1x16xf32>,
        %get3A_371 = vector.shape_cast %get3A_370 : vector<1x1x16xf32> to vector<16xf32>
        %mul3A_372 = arith.constant 11.3137083 : f32
        %mul3A_373 = vector.broadcast %mul3A_372 : f32 to vector<16xf32>
        %mul3A_374 = arith.mulf %get3A_371, %mul3A_373 : vector<16xf32>
        %swap3A = arith.constant 4 : i32
        %swap3A_375 = arith.index_cast %swap3A : i32 to index
        %swap3A_376 = arith.index_cast %scan3A_366 : i32 to index
        %swap3A_377 = arith.constant 0 : index
        %swap3A_378 = tpu.vector_load %arg6[%swap3A_375, %swap3A_376, %swap3A_377] {strides = array<i32>} : memref<5x128x128xf32, #tpu.memory_space<vmem>>, vector<1x1x16xf32>,
        %swap3A_379 = vector.shape_cast %swap3A_378 : vector<1x1x16xf32> to vector<16xf32>
        %swap3A_380 = vector.shape_cast %mul3A_374 : vector<16xf32> to vector<1x1x16xf32>
        tpu.vector_store %arg6[%swap3A_375, %swap3A_376, %swap3A_377], %swap3A_380 {strides = array<i32>} : memref<5x128x128xf32, #tpu.memory_space<vmem>>, vector<1x1x16xf32>,
        %get3A_381 = arith.constant 4 : i32
        %get3A_382 = arith.index_cast %get3A_381 : i32 to index
        %get3A_383 = arith.index_cast %scan3A_366 : i32 to index
        %get3A_384 = arith.constant 16 : index
        %get3A_385 = tpu.vector_load %arg6[%get3A_382, %get3A_383, %get3A_384] {strides = array<i32>} : memref<5x128x128xf32, #tpu.memory_space<vmem>>, vector<1x1x16xf32>,
        %get3A_386 = vector.shape_cast %get3A_385 : vector<1x1x16xf32> to vector<16xf32>
        %mul3A_387 = arith.constant 11.3137083 : f32
        %mul3A_388 = vector.broadcast %mul3A_387 : f32 to vector<16xf32>
        %mul3A_389 = arith.mulf %get3A_386, %mul3A_388 : vector<16xf32>
        %swap3A_390 = arith.constant 4 : i32
        %swap3A_391 = arith.index_cast %swap3A_390 : i32 to index
        %swap3A_392 = arith.index_cast %scan3A_366 : i32 to index
        %swap3A_393 = arith.constant 16 : index
        %swap3A_394 = tpu.vector_load %arg6[%swap3A_391, %swap3A_392, %swap3A_393] {strides = array<i32>} : memref<5x128x128xf32, #tpu.memory_space<vmem>>, vector<1x1x16xf32>,
        %swap3A_395 = vector.shape_cast %swap3A_394 : vector<1x1x16xf32> to vector<16xf32>
        %swap3A_396 = vector.shape_cast %mul3A_389 : vector<16xf32> to vector<1x1x16xf32>
        tpu.vector_store %arg6[%swap3A_391, %swap3A_392, %swap3A_393], %swap3A_396 {strides = array<i32>} : memref<5x128x128xf32, #tpu.memory_space<vmem>>, vector<1x1x16xf32>,
        %get3A_397 = arith.constant 4 : i32
        %get3A_398 = arith.index_cast %get3A_397 : i32 to index
        %get3A_399 = arith.index_cast %scan3A_366 : i32 to index
        %get3A_400 = arith.constant 32 : index
        %get3A_401 = tpu.vector_load %arg6[%get3A_398, %get3A_399, %get3A_400] {strides = array<i32>} : memref<5x128x128xf32, #tpu.memory_space<vmem>>, vector<1x1x16xf32>,
        %get3A_402 = vector.shape_cast %get3A_401 : vector<1x1x16xf32> to vector<16xf32>
        %mul3A_403 = arith.constant 11.3137083 : f32
        %mul3A_404 = vector.broadcast %mul3A_403 : f32 to vector<16xf32>
        %mul3A_405 = arith.mulf %get3A_402, %mul3A_404 : vector<16xf32>
        %swap3A_406 = arith.constant 4 : i32
        %swap3A_407 = arith.index_cast %swap3A_406 : i32 to index
        %swap3A_408 = arith.index_cast %scan3A_366 : i32 to index
        %swap3A_409 = arith.constant 32 : index
        %swap3A_410 = tpu.vector_load %arg6[%swap3A_407, %swap3A_408, %swap3A_409] {strides = array<i32>} : memref<5x128x128xf32, #tpu.memory_space<vmem>>, vector<1x1x16xf32>,
        %swap3A_411 = vector.shape_cast %swap3A_410 : vector<1x1x16xf32> to vector<16xf32>
        %swap3A_412 = vector.shape_cast %mul3A_405 : vector<16xf32> to vector<1x1x16xf32>
        tpu.vector_store %arg6[%swap3A_407, %swap3A_408, %swap3A_409], %swap3A_412 {strides = array<i32>} : memref<5x128x128xf32, #tpu.memory_space<vmem>>, vector<1x1x16xf32>,
        %get3A_413 = arith.constant 4 : i32
        %get3A_414 = arith.index_cast %get3A_413 : i32 to index
        %get3A_415 = arith.index_cast %scan3A_366 : i32 to index
        %get3A_416 = arith.constant 48 : index
        %get3A_417 = tpu.vector_load %arg6[%get3A_414, %get3A_415, %get3A_416] {strides = array<i32>} : memref<5x128x128xf32, #tpu.memory_space<vmem>>, vector<1x1x16xf32>,
        %get3A_418 = vector.shape_cast %get3A_417 : vector<1x1x16xf32> to vector<16xf32>
        %mul3A_419 = arith.constant 11.3137083 : f32
        %mul3A_420 = vector.broadcast %mul3A_419 : f32 to vector<16xf32>
        %mul3A_421 = arith.mulf %get3A_418, %mul3A_420 : vector<16xf32>
        %swap3A_422 = arith.constant 4 : i32
        %swap3A_423 = arith.index_cast %swap3A_422 : i32 to index
        %swap3A_424 = arith.index_cast %scan3A_366 : i32 to index
        %swap3A_425 = arith.constant 48 : index
        %swap3A_426 = tpu.vector_load %arg6[%swap3A_423, %swap3A_424, %swap3A_425] {strides = array<i32>} : memref<5x128x128xf32, #tpu.memory_space<vmem>>, vector<1x1x16xf32>,
        %swap3A_427 = vector.shape_cast %swap3A_426 : vector<1x1x16xf32> to vector<16xf32>
        %swap3A_428 = vector.shape_cast %mul3A_421 : vector<16xf32> to vector<1x1x16xf32>
        tpu.vector_store %arg6[%swap3A_423, %swap3A_424, %swap3A_425], %swap3A_428 {strides = array<i32>} : memref<5x128x128xf32, #tpu.memory_space<vmem>>, vector<1x1x16xf32>,
        %get3A_429 = arith.constant 4 : i32
        %get3A_430 = arith.index_cast %get3A_429 : i32 to index
        %get3A_431 = arith.index_cast %scan3A_366 : i32 to index
        %get3A_432 = arith.constant 64 : index
        %get3A_433 = tpu.vector_load %arg6[%get3A_430, %get3A_431, %get3A_432] {strides = array<i32>} : memref<5x128x128xf32, #tpu.memory_space<vmem>>, vector<1x1x16xf32>,
        %get3A_434 = vector.shape_cast %get3A_433 : vector<1x1x16xf32> to vector<16xf32>
        %mul3A_435 = arith.constant 11.3137083 : f32
        %mul3A_436 = vector.broadcast %mul3A_435 : f32 to vector<16xf32>
        %mul3A_437 = arith.mulf %get3A_434, %mul3A_436 : vector<16xf32>
        %swap3A_438 = arith.constant 4 : i32
        %swap3A_439 = arith.index_cast %swap3A_438 : i32 to index
        %swap3A_440 = arith.index_cast %scan3A_366 : i32 to index
        %swap3A_441 = arith.constant 64 : index
        %swap3A_442 = tpu.vector_load %arg6[%swap3A_439, %swap3A_440, %swap3A_441] {strides = array<i32>} : memref<5x128x128xf32, #tpu.memory_space<vmem>>, vector<1x1x16xf32>,
        %swap3A_443 = vector.shape_cast %swap3A_442 : vector<1x1x16xf32> to vector<16xf32>
        %swap3A_444 = vector.shape_cast %mul3A_437 : vector<16xf32> to vector<1x1x16xf32>
        tpu.vector_store %arg6[%swap3A_439, %swap3A_440, %swap3A_441], %swap3A_444 {strides = array<i32>} : memref<5x128x128xf32, #tpu.memory_space<vmem>>, vector<1x1x16xf32>,
        %get3A_445 = arith.constant 4 : i32
        %get3A_446 = arith.index_cast %get3A_445 : i32 to index
        %get3A_447 = arith.index_cast %scan3A_366 : i32 to index
        %get3A_448 = arith.constant 80 : index
        %get3A_449 = tpu.vector_load %arg6[%get3A_446, %get3A_447, %get3A_448] {strides = array<i32>} : memref<5x128x128xf32, #tpu.memory_space<vmem>>, vector<1x1x16xf32>,
        %get3A_450 = vector.shape_cast %get3A_449 : vector<1x1x16xf32> to vector<16xf32>
        %mul3A_451 = arith.constant 11.3137083 : f32
        %mul3A_452 = vector.broadcast %mul3A_451 : f32 to vector<16xf32>
        %mul3A_453 = arith.mulf %get3A_450, %mul3A_452 : vector<16xf32>
        %swap3A_454 = arith.constant 4 : i32
        %swap3A_455 = arith.index_cast %swap3A_454 : i32 to index
        %swap3A_456 = arith.index_cast %scan3A_366 : i32 to index
        %swap3A_457 = arith.constant 80 : index
        %swap3A_458 = tpu.vector_load %arg6[%swap3A_455, %swap3A_456, %swap3A_457] {strides = array<i32>} : memref<5x128x128xf32, #tpu.memory_space<vmem>>, vector<1x1x16xf32>,
        %swap3A_459 = vector.shape_cast %swap3A_458 : vector<1x1x16xf32> to vector<16xf32>
        %swap3A_460 = vector.shape_cast %mul3A_453 : vector<16xf32> to vector<1x1x16xf32>
        tpu.vector_store %arg6[%swap3A_455, %swap3A_456, %swap3A_457], %swap3A_460 {strides = array<i32>} : memref<5x128x128xf32, #tpu.memory_space<vmem>>, vector<1x1x16xf32>,
        %get3A_461 = arith.constant 4 : i32
        %get3A_462 = arith.index_cast %get3A_461 : i32 to index
        %get3A_463 = arith.index_cast %scan3A_366 : i32 to index
        %get3A_464 = arith.constant 96 : index
        %get3A_465 = tpu.vector_load %arg6[%get3A_462, %get3A_463, %get3A_464] {strides = array<i32>} : memref<5x128x128xf32, #tpu.memory_space<vmem>>, vector<1x1x16xf32>,
        %get3A_466 = vector.shape_cast %get3A_465 : vector<1x1x16xf32> to vector<16xf32>
        %mul3A_467 = arith.constant 11.3137083 : f32
        %mul3A_468 = vector.broadcast %mul3A_467 : f32 to vector<16xf32>
        %mul3A_469 = arith.mulf %get3A_466, %mul3A_468 : vector<16xf32>
        %swap3A_470 = arith.constant 4 : i32
        %swap3A_471 = arith.index_cast %swap3A_470 : i32 to index
        %swap3A_472 = arith.index_cast %scan3A_366 : i32 to index
        %swap3A_473 = arith.constant 96 : index
        %swap3A_474 = tpu.vector_load %arg6[%swap3A_471, %swap3A_472, %swap3A_473] {strides = array<i32>} : memref<5x128x128xf32, #tpu.memory_space<vmem>>, vector<1x1x16xf32>,
        %swap3A_475 = vector.shape_cast %swap3A_474 : vector<1x1x16xf32> to vector<16xf32>
        %swap3A_476 = vector.shape_cast %mul3A_469 : vector<16xf32> to vector<1x1x16xf32>
        tpu.vector_store %arg6[%swap3A_471, %swap3A_472, %swap3A_473], %swap3A_476 {strides = array<i32>} : memref<5x128x128xf32, #tpu.memory_space<vmem>>, vector<1x1x16xf32>,
        %get3A_477 = arith.constant 4 : i32
        %get3A_478 = arith.index_cast %get3A_477 : i32 to index
        %get3A_479 = arith.index_cast %scan3A_366 : i32 to index
        %get3A_480 = arith.constant 112 : index
        %get3A_481 = tpu.vector_load %arg6[%get3A_478, %get3A_479, %get3A_480] {strides = array<i32>} : memref<5x128x128xf32, #tpu.memory_space<vmem>>, vector<1x1x16xf32>,
        %get3A_482 = vector.shape_cast %get3A_481 : vector<1x1x16xf32> to vector<16xf32>
        %mul3A_483 = arith.constant 11.3137083 : f32
        %mul3A_484 = vector.broadcast %mul3A_483 : f32 to vector<16xf32>
        %mul3A_485 = arith.mulf %get3A_482, %mul3A_484 : vector<16xf32>
        %swap3A_486 = arith.constant 4 : i32
        %swap3A_487 = arith.index_cast %swap3A_486 : i32 to index
        %swap3A_488 = arith.index_cast %scan3A_366 : i32 to index
        %swap3A_489 = arith.constant 112 : index
        %swap3A_490 = tpu.vector_load %arg6[%swap3A_487, %swap3A_488, %swap3A_489] {strides = array<i32>} : memref<5x128x128xf32, #tpu.memory_space<vmem>>, vector<1x1x16xf32>,
        %swap3A_491 = vector.shape_cast %swap3A_490 : vector<1x1x16xf32> to vector<16xf32>
        %swap3A_492 = vector.shape_cast %mul3A_485 : vector<16xf32> to vector<1x1x16xf32>
        tpu.vector_store %arg6[%swap3A_487, %swap3A_488, %swap3A_489], %swap3A_492 {strides = array<i32>} : memref<5x128x128xf32, #tpu.memory_space<vmem>>, vector<1x1x16xf32>,
      }
      %scan3A_346 = arith.constant 128 : i32
      %mul3A_347 = arith.constant 128 : i32
      %mul3A_348 = arith.muli %add3A_319, %mul3A_347 : i32
      %add3A_349 = arith.addi %mul3A_2, %mul3A_348 : i32
      %dma_start3A_350 = arith.constant 4 : i32
      %dma_start3A_351 = arith.constant 4 : i32
      %dma_start3A_352 = arith.constant 0 : i32
      %dma_start3A_353 = arith.constant 0 : i32
      %dma_start3A_354 = tpu.memref_slice %arg6[%dma_start3A_350, %dma_start3A_352, %dma_start3A_353] : memref<5x128x128xf32, #tpu.memory_space<vmem>> -> memref<1x128x128xf32, #tpu.memory_space<vmem>>
      %dma_start3A_355 = tpu.memref_squeeze %dma_start3A_354 : memref<1x128x128xf32, #tpu.memory_space<vmem>> -> memref<128x128xf32, #tpu.memory_space<vmem>>
      %dma_start3A_356 = arith.constant 0 : i32
      %dma_start3A_357 = tpu.memref_slice %arg4[%add3A_349, %dma_start3A_356] : memref<204800x128xf32, #tpu.memory_space<hbm>> -> memref<128x128xf32, #tpu.memory_space<hbm>>
      %dma_start3A_358 = tpu.memref_slice %arg8[%dma_start3A_351] : memref<5x!tpu.dma_semaphore, #tpu.memory_space<semaphore_mem>> -> memref<1x!tpu.dma_semaphore, #tpu.memory_space<semaphore_mem>>
      %dma_start3A_359 = tpu.memref_squeeze %dma_start3A_358 : memref<1x!tpu.dma_semaphore, #tpu.memory_space<semaphore_mem>> -> memref<!tpu.dma_semaphore, #tpu.memory_space<semaphore_mem>>
      %dma_start3A_360 = arith.constant 0 : i32
      %dma_start3A_361 = tpu.memref_slice %arg4[%add3A_349, %dma_start3A_360] : memref<204800x128xf32, #tpu.memory_space<hbm>> -> memref<128x128xf32, #tpu.memory_space<hbm>>
      %dma_start3A_362 = arith.constant 0 : i32
      %dma_start3A_363 = arith.constant 0 : i32
      %dma_start3A_364 = tpu.memref_slice %arg6[%dma_start3A_350, %dma_start3A_362, %dma_start3A_363] : memref<5x128x128xf32, #tpu.memory_space<vmem>> -> memref<1x128x128xf32, #tpu.memory_space<vmem>>
      %dma_start3A_365 = tpu.memref_squeeze %dma_start3A_364 : memref<1x128x128xf32, #tpu.memory_space<vmem>> -> memref<128x128xf32, #tpu.memory_space<vmem>>
      tpu.enqueue_dma source(%dma_start3A_365 : memref<128x128xf32, #tpu.memory_space<vmem>>) target(%dma_start3A_361 : memref<128x128xf32, #tpu.memory_space<hbm>>) target_semaphore(%dma_start3A_359 : memref<!tpu.dma_semaphore, #tpu.memory_space<semaphore_mem>>)
    }
    %scan3A_36 = arith.constant 10 : i32
    %add3A_37 = arith.constant 5760 : i32
    %add3A_38 = arith.addi %mul3A_2, %add3A_37 : i32
    %dma_wait3A = arith.constant 0 : i32
    %dma_wait3A_39 = arith.constant 0 : i32
    %dma_wait3A_40 = arith.constant 0 : i32
    %dma_wait3A_41 = arith.constant 0 : i32
    %dma_wait3A_42 = tpu.memref_slice %arg6[%dma_wait3A, %dma_wait3A_40, %dma_wait3A_41] : memref<5x128x128xf32, #tpu.memory_space<vmem>> -> memref<1x128x128xf32, #tpu.memory_space<vmem>>
    %dma_wait3A_43 = tpu.memref_squeeze %dma_wait3A_42 : memref<1x128x128xf32, #tpu.memory_space<vmem>> -> memref<128x128xf32, #tpu.memory_space<vmem>>
    %dma_wait3A_44 = arith.constant 0 : i32
    %dma_wait3A_45 = tpu.memref_slice %arg4[%add3A_38, %dma_wait3A_44] : memref<204800x128xf32, #tpu.memory_space<hbm>> -> memref<128x128xf32, #tpu.memory_space<hbm>>
    %dma_wait3A_46 = tpu.memref_slice %arg8[%dma_wait3A_39] : memref<5x!tpu.dma_semaphore, #tpu.memory_space<semaphore_mem>> -> memref<1x!tpu.dma_semaphore, #tpu.memory_space<semaphore_mem>>
    %dma_wait3A_47 = tpu.memref_squeeze %dma_wait3A_46 : memref<1x!tpu.dma_semaphore, #tpu.memory_space<semaphore_mem>> -> memref<!tpu.dma_semaphore, #tpu.memory_space<semaphore_mem>>
    %dma_wait3A_48 = arith.constant 0 : i32
    %dma_wait3A_49 = tpu.memref_slice %arg4[%add3A_38, %dma_wait3A_48] : memref<204800x128xf32, #tpu.memory_space<hbm>> -> memref<128x128xf32, #tpu.memory_space<hbm>>
    %dma_wait3A_50 = arith.constant 0 : i32
    %dma_wait3A_51 = arith.constant 0 : i32
    %dma_wait3A_52 = tpu.memref_slice %arg6[%dma_wait3A, %dma_wait3A_50, %dma_wait3A_51] : memref<5x128x128xf32, #tpu.memory_space<vmem>> -> memref<1x128x128xf32, #tpu.memory_space<vmem>>
    %dma_wait3A_53 = tpu.memref_squeeze %dma_wait3A_52 : memref<1x128x128xf32, #tpu.memory_space<vmem>> -> memref<128x128xf32, #tpu.memory_space<vmem>>
    tpu.wait_dma2 semaphore(%dma_wait3A_47 : memref<!tpu.dma_semaphore, #tpu.memory_space<semaphore_mem>>) src(%dma_wait3A_53 : memref<128x128xf32, #tpu.memory_space<vmem>>) dst(%dma_wait3A_49 : memref<128x128xf32, #tpu.memory_space<hbm>>)
    %add3A_54 = arith.constant 5888 : i32
    %add3A_55 = arith.addi %mul3A_2, %add3A_54 : i32
    %dma_wait3A_56 = arith.constant 1 : i32
    %dma_wait3A_57 = arith.constant 1 : i32
    %dma_wait3A_58 = arith.constant 0 : i32
    %dma_wait3A_59 = arith.constant 0 : i32
    %dma_wait3A_60 = tpu.memref_slice %arg6[%dma_wait3A_56, %dma_wait3A_58, %dma_wait3A_59] : memref<5x128x128xf32, #tpu.memory_space<vmem>> -> memref<1x128x128xf32, #tpu.memory_space<vmem>>
    %dma_wait3A_61 = tpu.memref_squeeze %dma_wait3A_60 : memref<1x128x128xf32, #tpu.memory_space<vmem>> -> memref<128x128xf32, #tpu.memory_space<vmem>>
    %dma_wait3A_62 = arith.constant 0 : i32
    %dma_wait3A_63 = tpu.memref_slice %arg4[%add3A_55, %dma_wait3A_62] : memref<204800x128xf32, #tpu.memory_space<hbm>> -> memref<128x128xf32, #tpu.memory_space<hbm>>
    %dma_wait3A_64 = tpu.memref_slice %arg8[%dma_wait3A_57] : memref<5x!tpu.dma_semaphore, #tpu.memory_space<semaphore_mem>> -> memref<1x!tpu.dma_semaphore, #tpu.memory_space<semaphore_mem>>
    %dma_wait3A_65 = tpu.memref_squeeze %dma_wait3A_64 : memref<1x!tpu.dma_semaphore, #tpu.memory_space<semaphore_mem>> -> memref<!tpu.dma_semaphore, #tpu.memory_space<semaphore_mem>>
    %dma_wait3A_66 = arith.constant 0 : i32
    %dma_wait3A_67 = tpu.memref_slice %arg4[%add3A_55, %dma_wait3A_66] : memref<204800x128xf32, #tpu.memory_space<hbm>> -> memref<128x128xf32, #tpu.memory_space<hbm>>
    %dma_wait3A_68 = arith.constant 0 : i32
    %dma_wait3A_69 = arith.constant 0 : i32
    %dma_wait3A_70 = tpu.memref_slice %arg6[%dma_wait3A_56, %dma_wait3A_68, %dma_wait3A_69] : memref<5x128x128xf32, #tpu.memory_space<vmem>> -> memref<1x128x128xf32, #tpu.memory_space<vmem>>
    %dma_wait3A_71 = tpu.memref_squeeze %dma_wait3A_70 : memref<1x128x128xf32, #tpu.memory_space<vmem>> -> memref<128x128xf32, #tpu.memory_space<vmem>>
    tpu.wait_dma2 semaphore(%dma_wait3A_65 : memref<!tpu.dma_semaphore, #tpu.memory_space<semaphore_mem>>) src(%dma_wait3A_71 : memref<128x128xf32, #tpu.memory_space<vmem>>) dst(%dma_wait3A_67 : memref<128x128xf32, #tpu.memory_space<hbm>>)
    %add3A_72 = arith.constant 6016 : i32
    %add3A_73 = arith.addi %mul3A_2, %add3A_72 : i32
    %dma_wait3A_74 = arith.constant 2 : i32
    %dma_wait3A_75 = arith.constant 2 : i32
    %dma_wait3A_76 = arith.constant 0 : i32
    %dma_wait3A_77 = arith.constant 0 : i32
    %dma_wait3A_78 = tpu.memref_slice %arg6[%dma_wait3A_74, %dma_wait3A_76, %dma_wait3A_77] : memref<5x128x128xf32, #tpu.memory_space<vmem>> -> memref<1x128x128xf32, #tpu.memory_space<vmem>>
    %dma_wait3A_79 = tpu.memref_squeeze %dma_wait3A_78 : memref<1x128x128xf32, #tpu.memory_space<vmem>> -> memref<128x128xf32, #tpu.memory_space<vmem>>
    %dma_wait3A_80 = arith.constant 0 : i32
    %dma_wait3A_81 = tpu.memref_slice %arg4[%add3A_73, %dma_wait3A_80] : memref<204800x128xf32, #tpu.memory_space<hbm>> -> memref<128x128xf32, #tpu.memory_space<hbm>>
    %dma_wait3A_82 = tpu.memref_slice %arg8[%dma_wait3A_75] : memref<5x!tpu.dma_semaphore, #tpu.memory_space<semaphore_mem>> -> memref<1x!tpu.dma_semaphore, #tpu.memory_space<semaphore_mem>>
    %dma_wait3A_83 = tpu.memref_squeeze %dma_wait3A_82 : memref<1x!tpu.dma_semaphore, #tpu.memory_space<semaphore_mem>> -> memref<!tpu.dma_semaphore, #tpu.memory_space<semaphore_mem>>
    %dma_wait3A_84 = arith.constant 0 : i32
    %dma_wait3A_85 = tpu.memref_slice %arg4[%add3A_73, %dma_wait3A_84] : memref<204800x128xf32, #tpu.memory_space<hbm>> -> memref<128x128xf32, #tpu.memory_space<hbm>>
    %dma_wait3A_86 = arith.constant 0 : i32
    %dma_wait3A_87 = arith.constant 0 : i32
    %dma_wait3A_88 = tpu.memref_slice %arg6[%dma_wait3A_74, %dma_wait3A_86, %dma_wait3A_87] : memref<5x128x128xf32, #tpu.memory_space<vmem>> -> memref<1x128x128xf32, #tpu.memory_space<vmem>>
    %dma_wait3A_89 = tpu.memref_squeeze %dma_wait3A_88 : memref<1x128x128xf32, #tpu.memory_space<vmem>> -> memref<128x128xf32, #tpu.memory_space<vmem>>
    tpu.wait_dma2 semaphore(%dma_wait3A_83 : memref<!tpu.dma_semaphore, #tpu.memory_space<semaphore_mem>>) src(%dma_wait3A_89 : memref<128x128xf32, #tpu.memory_space<vmem>>) dst(%dma_wait3A_85 : memref<128x128xf32, #tpu.memory_space<hbm>>)
    %add3A_90 = arith.constant 6144 : i32
    %add3A_91 = arith.addi %mul3A_2, %add3A_90 : i32
    %dma_wait3A_92 = arith.constant 3 : i32
    %dma_wait3A_93 = arith.constant 3 : i32
    %dma_wait3A_94 = arith.constant 0 : i32
    %dma_wait3A_95 = arith.constant 0 : i32
    %dma_wait3A_96 = tpu.memref_slice %arg6[%dma_wait3A_92, %dma_wait3A_94, %dma_wait3A_95] : memref<5x128x128xf32, #tpu.memory_space<vmem>> -> memref<1x128x128xf32, #tpu.memory_space<vmem>>
    %dma_wait3A_97 = tpu.memref_squeeze %dma_wait3A_96 : memref<1x128x128xf32, #tpu.memory_space<vmem>> -> memref<128x128xf32, #tpu.memory_space<vmem>>
    %dma_wait3A_98 = arith.constant 0 : i32
    %dma_wait3A_99 = tpu.memref_slice %arg4[%add3A_91, %dma_wait3A_98] : memref<204800x128xf32, #tpu.memory_space<hbm>> -> memref<128x128xf32, #tpu.memory_space<hbm>>
    %dma_wait3A_100 = tpu.memref_slice %arg8[%dma_wait3A_93] : memref<5x!tpu.dma_semaphore, #tpu.memory_space<semaphore_mem>> -> memref<1x!tpu.dma_semaphore, #tpu.memory_space<semaphore_mem>>
    %dma_wait3A_101 = tpu.memref_squeeze %dma_wait3A_100 : memref<1x!tpu.dma_semaphore, #tpu.memory_space<semaphore_mem>> -> memref<!tpu.dma_semaphore, #tpu.memory_space<semaphore_mem>>
    %dma_wait3A_102 = arith.constant 0 : i32
    %dma_wait3A_103 = tpu.memref_slice %arg4[%add3A_91, %dma_wait3A_102] : memref<204800x128xf32, #tpu.memory_space<hbm>> -> memref<128x128xf32, #tpu.memory_space<hbm>>
    %dma_wait3A_104 = arith.constant 0 : i32
    %dma_wait3A_105 = arith.constant 0 : i32
    %dma_wait3A_106 = tpu.memref_slice %arg6[%dma_wait3A_92, %dma_wait3A_104, %dma_wait3A_105] : memref<5x128x128xf32, #tpu.memory_space<vmem>> -> memref<1x128x128xf32, #tpu.memory_space<vmem>>
    %dma_wait3A_107 = tpu.memref_squeeze %dma_wait3A_106 : memref<1x128x128xf32, #tpu.memory_space<vmem>> -> memref<128x128xf32, #tpu.memory_space<vmem>>
    tpu.wait_dma2 semaphore(%dma_wait3A_101 : memref<!tpu.dma_semaphore, #tpu.memory_space<semaphore_mem>>) src(%dma_wait3A_107 : memref<128x128xf32, #tpu.memory_space<vmem>>) dst(%dma_wait3A_103 : memref<128x128xf32, #tpu.memory_space<hbm>>)
    %add3A_108 = arith.constant 6272 : i32
    %add3A_109 = arith.addi %mul3A_2, %add3A_108 : i32
    %dma_wait3A_110 = arith.constant 4 : i32
    %dma_wait3A_111 = arith.constant 4 : i32
    %dma_wait3A_112 = arith.constant 0 : i32
    %dma_wait3A_113 = arith.constant 0 : i32
    %dma_wait3A_114 = tpu.memref_slice %arg6[%dma_wait3A_110, %dma_wait3A_112, %dma_wait3A_113] : memref<5x128x128xf32, #tpu.memory_space<vmem>> -> memref<1x128x128xf32, #tpu.memory_space<vmem>>
    %dma_wait3A_115 = tpu.memref_squeeze %dma_wait3A_114 : memref<1x128x128xf32, #tpu.memory_space<vmem>> -> memref<128x128xf32, #tpu.memory_space<vmem>>
    %dma_wait3A_116 = arith.constant 0 : i32
    %dma_wait3A_117 = tpu.memref_slice %arg4[%add3A_109, %dma_wait3A_116] : memref<204800x128xf32, #tpu.memory_space<hbm>> -> memref<128x128xf32, #tpu.memory_space<hbm>>
    %dma_wait3A_118 = tpu.memref_slice %arg8[%dma_wait3A_111] : memref<5x!tpu.dma_semaphore, #tpu.memory_space<semaphore_mem>> -> memref<1x!tpu.dma_semaphore, #tpu.memory_space<semaphore_mem>>
    %dma_wait3A_119 = tpu.memref_squeeze %dma_wait3A_118 : memref<1x!tpu.dma_semaphore, #tpu.memory_space<semaphore_mem>> -> memref<!tpu.dma_semaphore, #tpu.memory_space<semaphore_mem>>
    %dma_wait3A_120 = arith.constant 0 : i32
    %dma_wait3A_121 = tpu.memref_slice %arg4[%add3A_109, %dma_wait3A_120] : memref<204800x128xf32, #tpu.memory_space<hbm>> -> memref<128x128xf32, #tpu.memory_space<hbm>>
    %dma_wait3A_122 = arith.constant 0 : i32
    %dma_wait3A_123 = arith.constant 0 : i32
    %dma_wait3A_124 = tpu.memref_slice %arg6[%dma_wait3A_110, %dma_wait3A_122, %dma_wait3A_123] : memref<5x128x128xf32, #tpu.memory_space<vmem>> -> memref<1x128x128xf32, #tpu.memory_space<vmem>>
    %dma_wait3A_125 = tpu.memref_squeeze %dma_wait3A_124 : memref<1x128x128xf32, #tpu.memory_space<vmem>> -> memref<128x128xf32, #tpu.memory_space<vmem>>
    tpu.wait_dma2 semaphore(%dma_wait3A_119 : memref<!tpu.dma_semaphore, #tpu.memory_space<semaphore_mem>>) src(%dma_wait3A_125 : memref<128x128xf32, #tpu.memory_space<vmem>>) dst(%dma_wait3A_121 : memref<128x128xf32, #tpu.memory_space<hbm>>)
    return
  }
}

</mosaic_0001>

<sc_bundles>
// kernel: kernel.3.cloned.1.call-start
scs
__scs_entry_jumppad:
0x0: {  	(pc) =	sbr.rel $0x88, $3  }
0x1: {  	(tag) =	ssettag $0x0;
	lr =	simm.s32 $0x1  }
0x2: {  	[smem:$0x3F9F] =	sst lr;
	_ =	strace $0xD0000000  }
0x3: {  	_ = 	snop  }
0x4: {  	_ = 	snop  }
0x5: {  	_ = 	snop  }
0x6: {  	_ = 	snop  }
0x7: {  	_ = 	snop  }
__scs_overlays_trampoline_lowered:
0x8: {  	[smem:$0x3FAE] =	sst s0  }
0x9: {  	[smem:$0x3FAF] =	sst s1  }
0xa: {  	[smem:$0x3FB0] =	sst s2  }
0xb: {  	[smem:$0x3FB1] =	sst s3  }
0xc: {  	[smem:$0x3FB2] =	sst s4  }
0xd: {  	[smem:$0x3FB3] =	sst s5  }
0xe: {  	[smem:$0x3FB4] =	sst s6  }
0xf: {  	[smem:$0x3FB5] =	sst s7  }
0x10: {  	[smem:$0x3FB6] =	sst s8  }
0x11: {  	[smem:$0x3FB7] =	sst s9;
	s0 =	simm.s32 @!p0 $0x0  }
0x12: {  	s1 =	sld [smem:$0x3F9D];
	s0 =	simm.s32 @p0 $0x1  }
0x13: {  	[smem:$0x3FB8] =	sst s0;
	s0 =	simm.s32 @!p1 $0x0  }
0x14: {  	s2 =	sld [smem:$0x3F9C];
	s0 =	simm.s32 @p1 $0x1  }
0x15: {  	[smem:$0x3FB9] =	sst s0;
	s0 =	simm.s32 @!p2 $0x0  }
0x16: {  	s3 =	sld [smem:$0x3FDB];
	s0 =	simm.s32 @p2 $0x1  }
0x17: {  	s4 =	simm.s32 $0x1BF5;
	[smem:$0x3FBB] =	sst s0  }
0x18: {  	s0 =	sld [smem:$0x3F9E];
	_ =	swait.ge [sflag:s4], $0x0  }
0x19: {  	s7 =	sld [smem:$0x3F9F]  }
0x1a: {  	s8 =	sadd.s32 $0xFFFFE003, lr  }
0x1b: {  	s9 =	sadd.s32 $0xFFFFFEF7, lr;
	s5 =	simm.s32 $0xFFFFFFFF;
	p2 =	slt.u32 s8, $0xFFFFF086  }
0x1c: {  	p1 =	slt.u32 s9, $0xF7A;
	s5 =	simm.s32 @!p2 $0x0  }
0x1d: {  	s5 =	simm.s32 @p1 $0x1;
	p0 =	seq.s32 s7, s2  }
0x1e: {  	s7 =	smul.u32 @!p0 $0xF7A, s2;
	p2 =	seq.s32 @!p0 s5, $0x0  }
0x1f: {  	s9 =	smul.u32 $0xF7A, s1;
	s8 =	simm.s32 @!p0 $0x1BF5;
	p2 =	por !p2, p0  }
0x20: {  	[sflag:s8] =	ssyncset.s32 @!p0 $0xFFFFF086;
	s6 =	sadd.s32 @!p0 s3, s7;
	s7 =	simm.s32 @!p0 $0x108  }
0x21: {  	s3 =	sadd.s32 s3, s9;
	s6 =	sadd.s32 @!p0 $0x88, s6;
	s7 =	simm.s32 @p2 $0x1082  }
0x22: {  	[simem:s7], [sflag:s8] =	dma.local @!p0 [hbm:s6], $0xF7A  }
0x23: {  	s9 =	sor.u32 $0xD0000000, s2;
	s6 =	simm.s32 $0x108;
	_ =	swait.ge @!p0 [sflag:s8], $0x0  }
0x24: {  	s3 =	sadd.s32 $0x88, s3;
	s6 =	simm.s32 @!p1 $0x1082;
	[sflag:s4] =	ssyncset.s32 $0xFFFFF086  }
0x25: {  	[simem:s6], [sflag:s4] =	dma.local [hbm:s3], $0xF7A  }
0x26: {  	[smem:$0x3F9F] =	sst s1;
	(tag) =	ssettag s2;
	_ =	strace s9  }
0x27: {  	s1 =	sld [smem:$0x3FAF]  }
0x28: {  	s2 =	sld [smem:$0x3FB0]  }
0x29: {  	s4 =	sld [smem:$0x3FB2]  }
0x2a: {  	p0 =	seq.s32 s5, $0x0;
	s5 =	sld [smem:$0x3FB3]  }
0x2b: {  	s6 =	sld [smem:$0x3FB4]  }
0x2c: {  	s7 =	sld [smem:$0x3FB5]  }
0x2d: {  	s3 =	simm.s32 $0x108;
	s8 =	sld [smem:$0x3FB6]  }
0x2e: {  	s3 =	simm.s32 @!p0 $0x1082;
	s9 =	sld [smem:$0x3FB7]  }
0x2f: {  	lr =	sadd.s32 s0, s3;
	s0 =	sld [smem:$0x3FAE]  }
0x30: {  	s3 =	sld [smem:$0x3FB1]  }
0x31: {  	[smem:$0x3FBA] =	sst s10  }
0x32: {  	s10 =	sld [smem:$0x3FB8];
	_ =	sdelay $0x3  }
0x33: {  	p0 =	seq.s32 s10, $0x1;
	s10 =	sld [smem:$0x3FBA];
	_ =	sdelay $0x3  }
0x34: {  	[smem:$0x3FBA] =	sst s10  }
0x35: {  	s10 =	sld [smem:$0x3FB9];
	_ =	sdelay $0x3  }
0x36: {  	p1 =	seq.s32 s10, $0x1;
	s10 =	sld [smem:$0x3FBA];
	_ =	sdelay $0x3  }
0x37: {  	[smem:$0x3FBA] =	sst s10  }
0x38: {  	s10 =	sld [smem:$0x3FBB]  }
0x39: {  	_ = 	snop;
	(pc) =	sbr.ind lr, $3  }
0x3a: {  	_ = 	snop  }
0x3b: {  	_ = 	snop  }
0x3c: {  	p2 =	seq.s32 s10, $0x1;
	s10 =	sld [smem:$0x3FBA]  }
0x3d: {  	_ =	shalt  }
0x3e: {  	_ =	shalt  }
0x3f: {  	_ =	shalt  }
0x40: {  	_ =	shalt  }
0x41: {  	_ =	shalt  }
0x42: {  	_ =	shalt  }
0x43: {  	_ =	shalt  }
0x44: {  	_ =	shalt  }
0x45: {  	_ =	shalt  }
0x46: {  	_ =	shalt  }
0x47: {  	_ =	shalt  }
0x48: {  	_ =	shalt  }
0x49: {  	_ =	shalt  }
0x4a: {  	_ =	shalt  }
0x4b: {  	_ =	shalt  }
0x4c: {  	_ =	shalt  }
0x4d: {  	_ =	shalt  }
0x4e: {  	_ =	shalt  }
0x4f: {  	_ =	shalt  }
0x50: {  	_ =	shalt  }
0x51: {  	_ =	shalt  }
0x52: {  	_ =	shalt  }
0x53: {  	_ =	shalt  }
0x54: {  	_ =	shalt  }
0x55: {  	_ =	shalt  }
0x56: {  	_ =	shalt  }
0x57: {  	_ =	shalt  }
0x58: {  	_ =	shalt  }
0x59: {  	_ =	shalt  }
0x5a: {  	_ =	shalt  }
0x5b: {  	_ =	shalt  }
0x5c: {  	_ =	shalt  }
0x5d: {  	_ =	shalt  }
0x5e: {  	_ =	shalt  }
0x5f: {  	_ =	shalt  }
0x60: {  	_ =	shalt  }
0x61: {  	_ =	shalt  }
0x62: {  	_ =	shalt  }
0x63: {  	_ =	shalt  }
0x64: {  	_ =	shalt  }
0x65: {  	_ =	shalt  }
0x66: {  	_ =	shalt  }
0x67: {  	_ =	shalt  }
0x68: {  	_ =	shalt  }
0x69: {  	_ =	shalt  }
0x6a: {  	_ =	shalt  }
0x6b: {  	_ =	shalt  }
0x6c: {  	_ =	shalt  }
0x6d: {  	_ =	shalt  }
0x6e: {  	_ =	shalt  }
0x6f: {  	_ =	shalt  }
0x70: {  	_ =	shalt  }
0x71: {  	_ =	shalt  }
0x72: {  	_ =	shalt  }
0x73: {  	_ =	shalt  }
0x74: {  	_ =	shalt  }
0x75: {  	_ =	shalt  }
0x76: {  	_ =	shalt  }
0x77: {  	_ =	shalt  }
0x78: {  	_ =	shalt  }
0x79: {  	_ =	shalt  }
0x7a: {  	_ =	shalt  }
0x7b: {  	_ =	shalt  }
0x7c: {  	_ =	shalt  }
0x7d: {  	_ =	shalt  }
0x7e: {  	_ =	shalt  }
0x7f: {  	_ =	shalt  }
0x80: {  	_ =	shalt  }
0x81: {  	_ =	shalt  }
0x82: {  	_ =	shalt  }
0x83: {  	_ =	shalt  }
0x84: {  	_ =	shalt  }
0x85: {  	_ =	shalt  }
0x86: {  	_ =	shalt  }
0x87: {  	_ =	shalt  }
.Lfunc_end0:
.L_simem_size_0:
called_computation.1_lowered:
.L_overlay_start_0:
0x88: {  	s2 =	sld [smem:$0x3FD9]  }
0x89: {  	s3 =	sld [smem:$0x3FFE];
	_ =	sdelay $0x1  }
0x8a: {  	s1 =	srdreg.scid  }
0x8b: {  	s0 =	sand.u32 $0x1, s1  }
0x8c: {  	s17 =	sshll.u32 s0, $0xA;
	s2 =	sadd.s32 s3, s2  }
0x8d: {  	s2 =	sadd.s32 s2, s17  }
0x8e: {  	[smem:$0x3FC6] =	sst s2  }
0x8f: {  	_ = 	snop  }
0x90: {  	s2 =	sld [smem:$0x3FC8]  }
0x91: {  	s18 =	sld [smem:$0x3FD0];
	(tm) =	ssettm $0x1  }
0x92: {  	s4 =	sld [smem:$0x3FFB];
	_ =	sdelay $0x3  }
0x93: {  	_ =	strace s4  }
0x94: {  	s4 =	sld [smem:$0x3FFC];
	_ =	sdelay $0x3  }
0x95: {  	_ =	strace s4  }
0x96: {  	s4 =	sld [smem:$0x3FFD];
	_ =	sdelay $0x3  }
0x97: {  	_ =	strace s4  }
0x98: {  	_ =	strace $0x8FFFFFFF  }
0x99: {  	s19 =	sld [smem:$0x3FDB];
	_ =	sdelay $0x1  }
0x9a: {  	s5 =	simm.s32 $_scs_section_size  }
0x9b: {  	s6 =	simm.s32 $_size__tile_overlayer_lowered;
	s7 =	simm.s32 $_tile_overlayer_lowered  }
0x9c: {  	s22 =	simm.s32 $0x1BFF;
	s21 =	sshll.u32 s7, $0x1;
	s4 =	sadd.s32 s5, s19  }
0x9d: {  	s8 =	simm.s32 $0x0;
	s20 =	sshll.u32 s6, $0x1;
	s6 =	sadd.s32 s21, s4  }
0x9e: {  	[timem:s8], [sflag:s22] =	dma.local [hbm:s6], s20  }
0x9f: {  	_ =	swait.ge [sflag:s22], s20  }
0xa0: {  	s5 =	ssub.s32 $0x0, s20;
	[sflag:s22] =	ssyncset.done $0x0  }
0xa1: {  	[sflag:s22] =	ssyncadd.s32 s5;
	_ =	sdelay $0x1  }
0xa2: {  	s23 =	simm.s32 $0x1B8B  }
0xa3: {  	_ =	swait.ge [sflag:s23], $0x1  }
0xa4: {  	[sflag:s23] =	ssyncset.done $0x0  }
0xa5: {  	s25 =	simm.s32 $0x1B8E;
	s24 =	sld [smem:$0x3FFE];
	[sflag:s23] =	ssyncadd.s32 $0xFFFFFFFF  }
0xa6: {  	s26 =	simm.s32 $execute0_lowered;
	[smem:$0x3FD2] =	sst s25  }
0xa7: {  	s6 =	sshll.u32 s26, $0x1;
	_ =	strace $0x80000046;
	[dreg:$0x1] =	wrdreg $0xFFFFFFFF  }
0xa8: {  	s28 =	simm.s32 $_size_execute0_lowered;
	s4 =	sadd.s32 s4, s6;
	[dreg:$0x0] =	wrdreg $0x0  }
0xa9: {  	s6 =	sshll.u32 s28, $0x1;
	[dreg:$0x2] =	wrdreg s4  }
0xaa: {  	[dreg:$0x3] =	wrdreg s6  }
0xab: {  	[dreg:$0x4] =	wrdreg $0xC0  }
0xac: {  	_ =	task [dreg:s8], $0x5FFFF  }
0xad: {  	[dreg:$0x1] =	wrdreg $0xFFFFFFFF  }
0xae: {  	[dreg:$0x0] =	wrdreg $0x60  }
0xaf: {  	[dreg:$0x2] =	wrdreg s24  }
0xb0: {  	[dreg:$0x3] =	wrdreg s2  }
0xb1: {  	[dreg:$0x4] =	wrdreg s18  }
0xb2: {  	[dreg:$0x5] =	wrdreg $0x9  }
0xb3: {  	_ =	task.clear_ibuf [dreg:s8], $0x6FFFF;
	_ =	strace $0x90000046  }
0xb4: {  	s29 =	simm.s32 $0x9;
	_ =	strace $0x80000048  }
0xb5: {  	_ =	swait.ge [sflag:s29], $0x1  }
0xb6: {  	[sflag:s29] =	ssyncadd.s32 $0xFFFFFFFF  }
0xb7: {  	_ =	strace $0x90000048  }
0xb8: {  	_ =	sfence  }
0xb9: {  	s30 =	sld [smem:$0x0];
	_ =	sdelay $0x2  }
0xba: {  	s31 =	sshll.u32 s1, $0xD;
	s1 =	sshrl.u32 s1, $0x2  }
0xbb: {  	s3 =	sand.u32 $0x4000, s31;
	s1 =	sadd.s32 s1, s30  }
0xbc: {  	s0 =	sor.u32 s3, s0;
	s1 =	sshll.u32 s1, $0x11  }
0xbd: {  	s0 =	sor.u32 s1, s0  }
0xbe: {  	s0 =	sadd.s32 $0x8F2B, s0  }
0xbf: {  	[sflag:s0] =	ssyncadd.remote.s32 $0x1  }
0xc0: {  	_ =	sfence.sel $0xFFFF  }
0xc1: {  	[dreg:$0x0] =	wrdreg $0xFFFFFFFF;
	(pc) =	sbr.abs _section_cstart, $3  }
0xc2: {  	[dreg:$0x1] =	wrdreg $0xFFFFFFFF  }
0xc3: {  	_ =	task.clear_ibuf [dreg:s8], $0x2FFFF;
	_ =	strace $0x9FFFFFFF  }
0xc4: {  	(tm) =	ssettm $0x7FFFFFFF  }
0xc5: {  	_ =	shalt  }
tec
execute0_lowered:
.L_overlay_start_1:
0x0: {  	(tag) =	ssettag $0x1  }
0x1: {  	s0 =	rddreg [dreg:$0x0]  }
0x2: {  	s2 =	rddreg [dreg:$0x1];
	s1 =	srdreg.scid  }
0x3: {  	s4 =	stileid.u32;
	s3 =	rddreg [dreg:$0x2]  }
0x4: {  	s10 =	simm.s32 $0xB;
	s11 =	simm.s32 $0x80;
	s12 =	simm.s32 $0x1C00  }
0x5: {  	s13 =	simm.s32 $0x5C00;
	s14 =	simm.s32 $0x9C00;
	s15 =	simm.s32 $0x1  }
0x6: {  	s16 =	simm.s32 $0xDC00;
	s17 =	simm.s32 $0x2;
	s18 =	simm.s32 $0x11C00  }
0x7: {  	s19 =	simm.s32 $0x3;
	s20 =	simm.s32 $0x4;
	s21 =	simm.s32 $0x5  }
0x8: {  	s22 =	simm.s32 $0x6;
	s23 =	simm.s32 $0x7;
	s24 =	simm.s32 $0x8  }
0x9: {  	s25 =	simm.s32 $0x9;
	s1 =	sand.u32 $0x1, s1;
	s5 =	sshll.u32 s4, $0x1  }
0xa: {  	s26 =	simm.s32 $0xA;
	s6 =	sor.u32 s1, s5;
	s1 =	ssub.s32 $0x2, s1  }
0xb: {  	s4 =	simm.s32 $0x0;
	s7 =	smul.u32 $0x380, s6;
	s8 =	sshrl.u32 s1, $0x1  }
0xc: {  	s28 =	simm.s32 $0x0;
	[smem:$0x7FF] =	sst s4;
	s1 =	ssub.s32 s1, s8  }
0xd: {  	s5 =	smul.u32 $0xC8000, s6;
	s0 =	sadd.s32 s7, s0;
	s31 =	smax.u32 s1, $0x1  }
0xe: {  	_ =	strace $0x80000047;
	s0 =	sadd.s32 $0x800, s0;
	[dreg:$0x5] =	wrdreg s31  }
0xf: {  	s6 =	smul.u32 $0x1900, s6;
	s8 =	sor.u32 $0x4000, s5;
	[dreg:$0x4] =	wrdreg s0  }
.LBB2_1:
0x10: {  	s0 =	rddreg [dreg:$0x4]  }
0x11: {  	[tilespmem:s4], [sflag:$0xB] =	stream.linear.gather [hbm4b:s0+s4], $0x1900, $0x38;
	[tilespmem:$0x15C00] =	vst v63  }
0x12: {  	_ =	swait.ge [sflag:s10], $0x1900  }
0x13: {  	[sflag:s10] =	ssyncset.done $0x0  }
0x14: {  	[sflag:s10] =	ssyncadd.s32 $0xFFFFE700  }
0x15: {  	[tilespmem:s12], [sflag:$0x1] =	stream.indirect.gather [hbm4b:s2+s11], $0x80, s4, s11, $0xb8;
	[tilespmem:$0x15C00] =	vst v63  }
0x16: {  	s29 =	simm.s32 $0x0  }
0x17: {  	[tilespmem:s13], [sflag:$0x2] =	stream.indirect.gather [hbm4b:s2+s11], $0x80, s11, s11, $0xb8;
	[tilespmem:$0x15C00] =	vst v63  }
.LBB2_2:
0x18: {  	s31 =	smul.u32 $0x5, s29;
	p0 =	seq.s32 s29, $0x0  }
0x19: {  	s0 =	simm.s32 @!p0 $0x8  }
0x1a: {  	s1 =	sadd.s32 $0x2, s31;
	_ =	swait.ge @!p0 [sflag:s0], $0x4000  }
0x1b: {  	[sflag:s0] =	ssyncset.done @!p0 $0x0;
	s7 =	sshll.u32 s1, $0x7  }
0x1c: {  	[sflag:s0] =	ssyncadd.s32 @!p0 $0xFFFFC000;
	s9 =	sand.u32 $0x3FFFFF80, s7  }
0x1d: {  	[tilespmem:s14], [sflag:$0x3] =	stream.indirect.gather [hbm4b:s2+s11], $0x80, s9, s11, $0xb8;
	[tilespmem:$0x15C00] =	vst v63  }
0x1e: {  	_ =	swait.ge [sflag:s15], $0x4000  }
0x1f: {  	[sflag:s15] =	ssyncset.done $0x0  }
0x20: {  	s30 =	simm.s32 $0x0;
	[sflag:s15] =	ssyncadd.s32 $0xFFFFC000  }
0x21: {  	v2 =	vld [tilespmem:s30+$0x1C00]  }
0x22: {  	v5 =	vld [tilespmem:s30+$0x1C10]  }
0x23: {  	v4 =	vld [tilespmem:s30+$0x1C20]  }
0x24: {  	v3 =	vld [tilespmem:s30+$0x1C30]  }
0x25: {  	v0 =	vld [tilespmem:s30+$0x1C40]  }
0x26: {  	v1 =	vld [tilespmem:s30+$0x1C50];
	v6 =	vmul.f32 $1.131370830e+01, v2  }
0x27: {  	s0 =	simm.s32 $0x200;
	v5 =	vmul.f32 $1.131370830e+01, v5;
	v2 =	vld [tilespmem:s30+$0x1C60]  }
.LBB2_3:
0x28: {  	s7 =	sshra.s32 s0, $0x2;
	p1 =	sne.s32 s0, $0xFE00;
	[tilespmem:s30+$0x1C00] =	vst v6;
	v4 =	vmul.f32 $1.131370830e+01, v4;
	v6 =	vld [tilespmem:s30+$0x1C70]  }
0x29: {  	v7 =	vld [tilespmem:s7+$0x1C00];
	[tilespmem:s30+$0x1C10] =	vst v5;
	v3 =	vmul.f32 $1.131370830e+01, v3  }
0x2a: {  	v5 =	vld [tilespmem:s7+$0x1C10];
	[tilespmem:s30+$0x1C20] =	vst v4;
	v0 =	vmul.f32 $1.131370830e+01, v0  }
.Ltmp0:
0x2b: {  	v4 =	vld [tilespmem:s7+$0x1C20];
	[tilespmem:s30+$0x1C30] =	vst v3;
	v1 =	vmul.f32 $1.131370830e+01, v1;
	(pc) =	sbr.rel @p1 .LBB2_3-.Ltmp0, $4  }
0x2c: {  	v3 =	vld [tilespmem:s7+$0x1C30];
	[tilespmem:s30+$0x1C40] =	vst v0;
	v2 =	vmul.f32 $1.131370830e+01, v2  }
0x2d: {  	v0 =	vld [tilespmem:s7+$0x1C40];
	[tilespmem:s30+$0x1C50] =	vst v1;
	v8 =	vmul.f32 $1.131370830e+01, v6  }
0x2e: {  	v6 =	vmul.f32 $1.131370830e+01, v7;
	v1 =	vld [tilespmem:s7+$0x1C50];
	[tilespmem:s30+$0x1C60] =	vst v2  }
0x2f: {  	s0 =	sadd.s32 $0x200, s0;
	v5 =	vmul.f32 $1.131370830e+01, v5;
	v2 =	vld [tilespmem:s7+$0x1C60];
	[tilespmem:s30+$0x1C70] =	vst v8;
	s30 =	smov.u32 s7  }
0x30: {  	[tilespmem:s30+$0x1C00] =	vst v6;
	v4 =	vmul.f32 $1.131370830e+01, v4;
	v6 =	vld [tilespmem:s30+$0x1C70]  }
0x31: {  	[tilespmem:s30+$0x1C10] =	vst v5;
	v3 =	vmul.f32 $1.131370830e+01, v3  }
0x32: {  	[tilespmem:s30+$0x1C20] =	vst v4;
	v0 =	vmul.f32 $1.131370830e+01, v0  }
0x33: {  	s0 =	smul.u32 $0x280, s29;
	[tilespmem:s30+$0x1C30] =	vst v3;
	v1 =	vmul.f32 $1.131370830e+01, v1  }
0x34: {  	[tilespmem:s30+$0x1C40] =	vst v0;
	v0 =	vmul.f32 $1.131370830e+01, v2  }
0x35: {  	s0 =	sadd.s32 s6, s0;
	[tilespmem:s30+$0x1C50] =	vst v1;
	v1 =	vmul.f32 $1.131370830e+01, v6  }
0x36: {  	s0 =	sshll.u32 s0, $0x4;
	[tilespmem:s30+$0x1C60] =	vst v0  }
0x37: {  	s0 =	sadd.s32 s3, s0;
	[tilespmem:s30+$0x1C70] =	vst v1  }
0x38: {  	[hbm4b:s0+s4] =	stream.linear.scatter [tilespmem:s12], [sflag:$0x6], $0x4000, $0x38;
	[tilespmem:$0x15C00] =	vst v63  }
0x39: {  	s0 =	simm.s32 @!p0 $0x9  }
0x3a: {  	s30 =	sadd.s32 $0x3, s31;
	_ =	swait.ge @!p0 [sflag:s0], $0x4000  }
0x3b: {  	s7 =	sshll.u32 s30, $0x7;
	[sflag:s0] =	ssyncset.done @!p0 $0x0  }
0x3c: {  	s9 =	sand.u32 $0x3FFFFF80, s7;
	[sflag:s0] =	ssyncadd.s32 @!p0 $0xFFFFC000  }
0x3d: {  	[tilespmem:s16], [sflag:$0x4] =	stream.indirect.gather [hbm4b:s2+s11], $0x80, s9, s11, $0xb8;
	[tilespmem:$0x15C00] =	vst v63  }
0x3e: {  	_ =	swait.ge [sflag:s17], $0x4000  }
0x3f: {  	[sflag:s17] =	ssyncset.done $0x0  }
0x40: {  	s0 =	simm.s32 $0x0;
	[sflag:s17] =	ssyncadd.s32 $0xFFFFC000  }
0x41: {  	v2 =	vld [tilespmem:s0+$0x5C00]  }
0x42: {  	v5 =	vld [tilespmem:s0+$0x5C10]  }
0x43: {  	v4 =	vld [tilespmem:s0+$0x5C20]  }
0x44: {  	v3 =	vld [tilespmem:s0+$0x5C30]  }
0x45: {  	v0 =	vld [tilespmem:s0+$0x5C40]  }
0x46: {  	v1 =	vld [tilespmem:s0+$0x5C50];
	v6 =	vmul.f32 $1.131370830e+01, v2  }
0x47: {  	s7 =	simm.s32 $0x200;
	v5 =	vmul.f32 $1.131370830e+01, v5;
	v2 =	vld [tilespmem:s0+$0x5C60]  }
.LBB2_5:
0x48: {  	s9 =	sshra.s32 s7, $0x2;
	p1 =	sne.s32 s7, $0xFE00;
	[tilespmem:s0+$0x5C00] =	vst v6;
	v4 =	vmul.f32 $1.131370830e+01, v4;
	v6 =	vld [tilespmem:s0+$0x5C70]  }
0x49: {  	v7 =	vld [tilespmem:s9+$0x5C00];
	[tilespmem:s0+$0x5C10] =	vst v5;
	v3 =	vmul.f32 $1.131370830e+01, v3  }
0x4a: {  	v5 =	vld [tilespmem:s9+$0x5C10];
	[tilespmem:s0+$0x5C20] =	vst v4;
	v0 =	vmul.f32 $1.131370830e+01, v0  }
.Ltmp1:
0x4b: {  	v4 =	vld [tilespmem:s9+$0x5C20];
	[tilespmem:s0+$0x5C30] =	vst v3;
	v1 =	vmul.f32 $1.131370830e+01, v1;
	(pc) =	sbr.rel @p1 .LBB2_5-.Ltmp1, $4  }
0x4c: {  	v3 =	vld [tilespmem:s9+$0x5C30];
	[tilespmem:s0+$0x5C40] =	vst v0;
	v2 =	vmul.f32 $1.131370830e+01, v2  }
0x4d: {  	v0 =	vld [tilespmem:s9+$0x5C40];
	[tilespmem:s0+$0x5C50] =	vst v1;
	v8 =	vmul.f32 $1.131370830e+01, v6  }
0x4e: {  	v6 =	vmul.f32 $1.131370830e+01, v7;
	v1 =	vld [tilespmem:s9+$0x5C50];
	[tilespmem:s0+$0x5C60] =	vst v2  }
0x4f: {  	s7 =	sadd.s32 $0x200, s7;
	v5 =	vmul.f32 $1.131370830e+01, v5;
	v2 =	vld [tilespmem:s9+$0x5C60];
	[tilespmem:s0+$0x5C70] =	vst v8;
	s0 =	smov.u32 s9  }
0x50: {  	[tilespmem:s0+$0x5C00] =	vst v6;
	v4 =	vmul.f32 $1.131370830e+01, v4;
	v6 =	vld [tilespmem:s0+$0x5C70]  }
0x51: {  	[tilespmem:s0+$0x5C10] =	vst v5;
	v3 =	vmul.f32 $1.131370830e+01, v3  }
0x52: {  	[tilespmem:s0+$0x5C20] =	vst v4;
	v0 =	vmul.f32 $1.131370830e+01, v0  }
0x53: {  	s7 =	smul.u32 $0x14000, s29;
	[tilespmem:s0+$0x5C30] =	vst v3;
	v1 =	vmul.f32 $1.131370830e+01, v1  }
0x54: {  	[tilespmem:s0+$0x5C40] =	vst v0;
	v0 =	vmul.f32 $1.131370830e+01, v2  }
0x55: {  	s7 =	sadd.s32 s7, s8;
	[tilespmem:s0+$0x5C50] =	vst v1;
	v1 =	vmul.f32 $1.131370830e+01, v6  }
0x56: {  	s7 =	sshrl.u32 s7, $0x3;
	[tilespmem:s0+$0x5C60] =	vst v0  }
0x57: {  	s7 =	sadd.s32 s3, s7;
	[tilespmem:s0+$0x5C70] =	vst v1;
	s0 =	simm.s32 @!p0 $0xA  }
0x58: {  	[hbm4b:s7+s4] =	stream.linear.scatter [tilespmem:s13], [sflag:$0x7], $0x4000, $0x38;
	[tilespmem:$0x15C00] =	vst v63  }
0x59: {  	s31 =	sadd.s32 $0x4, s31;
	_ =	swait.ge @!p0 [sflag:s0], $0x4000  }
0x5a: {  	s9 =	sshll.u32 s31, $0x7;
	[sflag:s0] =	ssyncset.done @!p0 $0x0  }
0x5b: {  	s9 =	sand.u32 $0x3FFFFF80, s9;
	[sflag:s0] =	ssyncadd.s32 @!p0 $0xFFFFC000  }
0x5c: {  	[tilespmem:s18], [sflag:$0x5] =	stream.indirect.gather [hbm4b:s2+s11], $0x80, s9, s11, $0xb8;
	[tilespmem:$0x15C00] =	vst v63  }
0x5d: {  	_ =	swait.ge [sflag:s19], $0x4000  }
0x5e: {  	[sflag:s19] =	ssyncset.done $0x0  }
0x5f: {  	s0 =	simm.s32 $0x0;
	[sflag:s19] =	ssyncadd.s32 $0xFFFFC000  }
0x60: {  	v3 =	vld [tilespmem:s0+$0x9C00]  }
0x61: {  	v5 =	vld [tilespmem:s0+$0x9C10]  }
0x62: {  	v4 =	vld [tilespmem:s0+$0x9C20]  }
0x63: {  	v2 =	vld [tilespmem:s0+$0x9C30]  }
0x64: {  	v0 =	vld [tilespmem:s0+$0x9C40]  }
0x65: {  	v1 =	vld [tilespmem:s0+$0x9C50];
	v6 =	vmul.f32 $1.131370830e+01, v3  }
0x66: {  	s7 =	simm.s32 $0x200;
	v5 =	vmul.f32 $1.131370830e+01, v5;
	v3 =	vld [tilespmem:s0+$0x9C60]  }
.LBB2_7:
0x67: {  	s9 =	sshra.s32 s7, $0x2;
	p0 =	sne.s32 s7, $0xFE00;
	[tilespmem:s0+$0x9C00] =	vst v6;
	v4 =	vmul.f32 $1.131370830e+01, v4;
	v6 =	vld [tilespmem:s0+$0x9C70]  }
0x68: {  	v7 =	vld [tilespmem:s9+$0x9C00];
	[tilespmem:s0+$0x9C10] =	vst v5;
	v2 =	vmul.f32 $1.131370830e+01, v2  }
0x69: {  	v5 =	vld [tilespmem:s9+$0x9C10];
	[tilespmem:s0+$0x9C20] =	vst v4;
	v0 =	vmul.f32 $1.131370830e+01, v0  }
.Ltmp2:
0x6a: {  	v4 =	vld [tilespmem:s9+$0x9C20];
	[tilespmem:s0+$0x9C30] =	vst v2;
	v1 =	vmul.f32 $1.131370830e+01, v1;
	(pc) =	sbr.rel @p0 .LBB2_7-.Ltmp2, $4  }
0x6b: {  	v2 =	vld [tilespmem:s9+$0x9C30];
	[tilespmem:s0+$0x9C40] =	vst v0;
	v3 =	vmul.f32 $1.131370830e+01, v3  }
0x6c: {  	v0 =	vld [tilespmem:s9+$0x9C40];
	[tilespmem:s0+$0x9C50] =	vst v1;
	v8 =	vmul.f32 $1.131370830e+01, v6  }
0x6d: {  	v6 =	vmul.f32 $1.131370830e+01, v7;
	v1 =	vld [tilespmem:s9+$0x9C50];
	[tilespmem:s0+$0x9C60] =	vst v3  }
0x6e: {  	s7 =	sadd.s32 $0x200, s7;
	v5 =	vmul.f32 $1.131370830e+01, v5;
	v3 =	vld [tilespmem:s9+$0x9C60];
	[tilespmem:s0+$0x9C70] =	vst v8;
	s0 =	smov.u32 s9  }
0x6f: {  	[tilespmem:s0+$0x9C00] =	vst v6;
	v4 =	vmul.f32 $1.131370830e+01, v4;
	v6 =	vld [tilespmem:s0+$0x9C70]  }
0x70: {  	[tilespmem:s0+$0x9C10] =	vst v5;
	v2 =	vmul.f32 $1.131370830e+01, v2  }
0x71: {  	[tilespmem:s0+$0x9C20] =	vst v4;
	v0 =	vmul.f32 $1.131370830e+01, v0  }
0x72: {  	[tilespmem:s0+$0x9C30] =	vst v2;
	v1 =	vmul.f32 $1.131370830e+01, v1  }
0x73: {  	s1 =	sshll.u32 s1, $0xE;
	[tilespmem:s0+$0x9C40] =	vst v0;
	v0 =	vmul.f32 $1.131370830e+01, v3  }
0x74: {  	s1 =	sadd.s32 s5, s1;
	[tilespmem:s0+$0x9C50] =	vst v1;
	v1 =	vmul.f32 $1.131370830e+01, v6  }
0x75: {  	p0 =	seq.s32 s29, $0x9;
	s1 =	sshrl.u32 s1, $0x3;
	[tilespmem:s0+$0x9C60] =	vst v0  }
0x76: {  	s9 =	sadd.s32 s3, s1;
	s1 =	smul.u32 @!p0 $0xA00, s29;
	[tilespmem:s0+$0x9C70] =	vst v1;
	s0 =	simm.s32 @!p0 $0x6  }
0x77: {  	[hbm4b:s9+s4] =	stream.linear.scatter [tilespmem:s14], [sflag:$0x8], $0x4000, $0x38;
	[tilespmem:$0x15C00] =	vst v63  }
0x78: {  	_ =	swait.ge @!p0 [sflag:s0], $0x4000  }
0x79: {  	s7 =	simm.s32 @!p0 $0x80;
	s1 =	sshra.s32 @!p0 s1, $0x2;
	[sflag:s0] =	ssyncset.done @!p0 $0x0  }
0x7a: {  	s9 =	simm.s32 @!p0 $0x1C00;
	[sflag:s0] =	ssyncadd.s32 @!p0 $0xFFFFC000;
	s0 =	sadd.s32 @!p0 $0x280, s1  }
0x7b: {  	[tilespmem:s9], [sflag:$0x1] =	stream.indirect.gather @!p0 [hbm4b:s2+s7], $0x80, s0, s7, $0xb8;
	[tilespmem:$0x15C00] =	vst v63  }
0x7c: {  	_ =	swait.ge [sflag:s20], $0x4000  }
0x7d: {  	[sflag:s20] =	ssyncset.done $0x0  }
0x7e: {  	s0 =	simm.s32 $0x0;
	[sflag:s20] =	ssyncadd.s32 $0xFFFFC000  }
0x7f: {  	v3 =	vld [tilespmem:s0+$0xDC00]  }
0x80: {  	v5 =	vld [tilespmem:s0+$0xDC10]  }
0x81: {  	v4 =	vld [tilespmem:s0+$0xDC20]  }
0x82: {  	v2 =	vld [tilespmem:s0+$0xDC30]  }
0x83: {  	v0 =	vld [tilespmem:s0+$0xDC40]  }
0x84: {  	v1 =	vld [tilespmem:s0+$0xDC50];
	v6 =	vmul.f32 $1.131370830e+01, v3  }
0x85: {  	s7 =	simm.s32 $0x200;
	v5 =	vmul.f32 $1.131370830e+01, v5;
	v3 =	vld [tilespmem:s0+$0xDC60]  }
.LBB2_9:
0x86: {  	s9 =	sshra.s32 s7, $0x2;
	p1 =	sne.s32 s7, $0xFE00;
	[tilespmem:s0+$0xDC00] =	vst v6;
	v4 =	vmul.f32 $1.131370830e+01, v4;
	v6 =	vld [tilespmem:s0+$0xDC70]  }
0x87: {  	v7 =	vld [tilespmem:s9+$0xDC00];
	[tilespmem:s0+$0xDC10] =	vst v5;
	v2 =	vmul.f32 $1.131370830e+01, v2  }
0x88: {  	v5 =	vld [tilespmem:s9+$0xDC10];
	[tilespmem:s0+$0xDC20] =	vst v4;
	v0 =	vmul.f32 $1.131370830e+01, v0  }
.Ltmp3:
0x89: {  	v4 =	vld [tilespmem:s9+$0xDC20];
	[tilespmem:s0+$0xDC30] =	vst v2;
	v1 =	vmul.f32 $1.131370830e+01, v1;
	(pc) =	sbr.rel @p1 .LBB2_9-.Ltmp3, $4  }
0x8a: {  	v2 =	vld [tilespmem:s9+$0xDC30];
	[tilespmem:s0+$0xDC40] =	vst v0;
	v3 =	vmul.f32 $1.131370830e+01, v3  }
0x8b: {  	v0 =	vld [tilespmem:s9+$0xDC40];
	[tilespmem:s0+$0xDC50] =	vst v1;
	v8 =	vmul.f32 $1.131370830e+01, v6  }
0x8c: {  	v6 =	vmul.f32 $1.131370830e+01, v7;
	v1 =	vld [tilespmem:s9+$0xDC50];
	[tilespmem:s0+$0xDC60] =	vst v3  }
0x8d: {  	s7 =	sadd.s32 $0x200, s7;
	v5 =	vmul.f32 $1.131370830e+01, v5;
	v3 =	vld [tilespmem:s9+$0xDC60];
	[tilespmem:s0+$0xDC70] =	vst v8;
	s0 =	smov.u32 s9  }
0x8e: {  	[tilespmem:s0+$0xDC00] =	vst v6;
	v4 =	vmul.f32 $1.131370830e+01, v4;
	v6 =	vld [tilespmem:s0+$0xDC70]  }
0x8f: {  	[tilespmem:s0+$0xDC10] =	vst v5;
	v2 =	vmul.f32 $1.131370830e+01, v2  }
0x90: {  	[tilespmem:s0+$0xDC20] =	vst v4;
	v0 =	vmul.f32 $1.131370830e+01, v0  }
0x91: {  	[tilespmem:s0+$0xDC30] =	vst v2;
	v1 =	vmul.f32 $1.131370830e+01, v1  }
0x92: {  	s7 =	sshll.u32 s30, $0xE;
	[tilespmem:s0+$0xDC40] =	vst v0;
	v0 =	vmul.f32 $1.131370830e+01, v3  }
0x93: {  	s7 =	sadd.s32 s5, s7;
	[tilespmem:s0+$0xDC50] =	vst v1;
	v1 =	vmul.f32 $1.131370830e+01, v6  }
0x94: {  	s7 =	sshrl.u32 s7, $0x3;
	[tilespmem:s0+$0xDC60] =	vst v0  }
0x95: {  	s30 =	sadd.s32 s3, s7;
	[tilespmem:s0+$0xDC70] =	vst v1;
	s0 =	simm.s32 @!p0 $0x7  }
0x96: {  	[hbm4b:s30+s4] =	stream.linear.scatter [tilespmem:s16], [sflag:$0x9], $0x4000, $0x38;
	[tilespmem:$0x15C00] =	vst v63  }
0x97: {  	_ =	swait.ge @!p0 [sflag:s0], $0x4000  }
0x98: {  	s7 =	simm.s32 @!p0 $0x5C00;
	[sflag:s0] =	ssyncset.done @!p0 $0x0  }
0x99: {  	[sflag:s0] =	ssyncadd.s32 @!p0 $0xFFFFC000;
	s0 =	sadd.s32 @!p0 $0x300, s1;
	s1 =	simm.s32 @!p0 $0x80  }
0x9a: {  	[tilespmem:s7], [sflag:$0x2] =	stream.indirect.gather @!p0 [hbm4b:s2+s1], $0x80, s0, s1, $0xb8;
	[tilespmem:$0x15C00] =	vst v63  }
0x9b: {  	_ =	swait.ge [sflag:s21], $0x4000  }
0x9c: {  	[sflag:s21] =	ssyncset.done $0x0  }
0x9d: {  	s0 =	simm.s32 $0x0;
	[sflag:s21] =	ssyncadd.s32 $0xFFFFC000  }
0x9e: {  	v3 =	vld [tilespmem:s0+$0x11C00]  }
0x9f: {  	v5 =	vld [tilespmem:s0+$0x11C10]  }
0xa0: {  	v4 =	vld [tilespmem:s0+$0x11C20]  }
0xa1: {  	v2 =	vld [tilespmem:s0+$0x11C30]  }
0xa2: {  	v0 =	vld [tilespmem:s0+$0x11C40]  }
0xa3: {  	v1 =	vld [tilespmem:s0+$0x11C50];
	v6 =	vmul.f32 $1.131370830e+01, v3  }
0xa4: {  	s1 =	simm.s32 $0x200;
	v5 =	vmul.f32 $1.131370830e+01, v5;
	v3 =	vld [tilespmem:s0+$0x11C60]  }
.LBB2_11:
0xa5: {  	s7 =	sshra.s32 s1, $0x2;
	p0 =	sne.s32 s1, $0xFE00;
	[tilespmem:s0+$0x11C00] =	vst v6;
	v4 =	vmul.f32 $1.131370830e+01, v4;
	v6 =	vld [tilespmem:s0+$0x11C70]  }
0xa6: {  	v7 =	vld [tilespmem:s7+$0x11C00];
	[tilespmem:s0+$0x11C10] =	vst v5;
	v2 =	vmul.f32 $1.131370830e+01, v2  }
0xa7: {  	v5 =	vld [tilespmem:s7+$0x11C10];
	[tilespmem:s0+$0x11C20] =	vst v4;
	v0 =	vmul.f32 $1.131370830e+01, v0  }
.Ltmp4:
0xa8: {  	v4 =	vld [tilespmem:s7+$0x11C20];
	[tilespmem:s0+$0x11C30] =	vst v2;
	v1 =	vmul.f32 $1.131370830e+01, v1;
	(pc) =	sbr.rel @p0 .LBB2_11-.Ltmp4, $4  }
0xa9: {  	v2 =	vld [tilespmem:s7+$0x11C30];
	[tilespmem:s0+$0x11C40] =	vst v0;
	v3 =	vmul.f32 $1.131370830e+01, v3  }
0xaa: {  	v0 =	vld [tilespmem:s7+$0x11C40];
	[tilespmem:s0+$0x11C50] =	vst v1;
	v8 =	vmul.f32 $1.131370830e+01, v6  }
0xab: {  	v6 =	vmul.f32 $1.131370830e+01, v7;
	v1 =	vld [tilespmem:s7+$0x11C50];
	[tilespmem:s0+$0x11C60] =	vst v3  }
0xac: {  	s1 =	sadd.s32 $0x200, s1;
	v5 =	vmul.f32 $1.131370830e+01, v5;
	v3 =	vld [tilespmem:s7+$0x11C60];
	[tilespmem:s0+$0x11C70] =	vst v8;
	s0 =	smov.u32 s7  }
0xad: {  	[tilespmem:s0+$0x11C00] =	vst v6;
	v4 =	vmul.f32 $1.131370830e+01, v4;
	v61 =	vld [tilespmem:s0+$0x11C70]  }
0xae: {  	[tilespmem:s0+$0x11C10] =	vst v5;
	v2 =	vmul.f32 $1.131370830e+01, v2  }
0xaf: {  	s29 =	sadd.s32 $0x1, s29;
	[tilespmem:s0+$0x11C20] =	vst v4;
	v0 =	vmul.f32 $1.131370830e+01, v0  }
0xb0: {  	p0 =	sne.s32 s29, $0xA;
	[tilespmem:s0+$0x11C30] =	vst v2;
	v1 =	vmul.f32 $1.131370830e+01, v1  }
.Ltmp5:
0xb1: {  	s1 =	sshll.u32 s31, $0xE;
	[tilespmem:s0+$0x11C40] =	vst v0;
	v62 =	vmul.f32 $1.131370830e+01, v3;
	(pc) =	sbr.rel @p0 .LBB2_2-.Ltmp5, $4  }
0xb2: {  	s1 =	sadd.s32 s5, s1;
	[tilespmem:s0+$0x11C50] =	vst v1;
	v63 =	vmul.f32 $1.131370830e+01, v61  }
0xb3: {  	s1 =	sshrl.u32 s1, $0x3;
	[tilespmem:s0+$0x11C60] =	vst v62  }
0xb4: {  	s31 =	sadd.s32 s3, s1;
	[tilespmem:s0+$0x11C70] =	vst v63  }
0xb5: {  	[hbm4b:s31+s4] =	stream.linear.scatter [tilespmem:s18], [sflag:$0xA], $0x4000, $0x38;
	[tilespmem:$0x15C00] =	vst v63  }
0xb6: {  	_ =	swait.ge [sflag:s22], $0x4000  }
0xb7: {  	[sflag:s22] =	ssyncset.done $0x0  }
0xb8: {  	[sflag:s22] =	ssyncadd.s32 $0xFFFFC000  }
0xb9: {  	_ =	swait.ge [sflag:s23], $0x4000  }
0xba: {  	[sflag:s23] =	ssyncset.done $0x0  }
0xbb: {  	[sflag:s23] =	ssyncadd.s32 $0xFFFFC000  }
0xbc: {  	_ =	swait.ge [sflag:s24], $0x4000  }
0xbd: {  	[sflag:s24] =	ssyncset.done $0x0  }
0xbe: {  	[sflag:s24] =	ssyncadd.s32 $0xFFFFC000  }
0xbf: {  	_ =	swait.ge [sflag:s25], $0x4000  }
0xc0: {  	[sflag:s25] =	ssyncset.done $0x0  }
0xc1: {  	[sflag:s25] =	ssyncadd.s32 $0xFFFFC000  }
0xc2: {  	_ =	swait.ge [sflag:s26], $0x4000  }
0xc3: {  	s28 =	sadd.s32 $0x1, s28;
	s0 =	rddreg [dreg:$0x5]  }
0xc4: {  	p0 =	sne.s32 s28, s0  }
.Ltmp6:
0xc5: {  	_ = 	snop;
	(pc) =	sbr.rel @p0 .LBB2_1-.Ltmp6, $3  }
0xc6: {  	_ =	sdelay $0x1  }
0xc7: {  	[sflag:s26] =	ssyncset.done $0x0  }
0xc8: {  	[sflag:s26] =	ssyncadd.s32 $0xFFFFC000  }
0xc9: {  	_ =	sfence.sel $0x180000  }
0xca: {  	[bflag:$0x0] =	sbarrier.arrive $0xFFFF  }
0xcb: {  	_ =	strace $0x90000047  }
0xcc: {  	s0 =	stileid.u32;
	[bflag:$0x2] =	sbarrier.arrive $0xFFFF  }
0xcd: {  	p0 =	sne.s32 s0, $0x0;
	s0 =	rddreg [dreg:$0x3]  }
0xce: {  	s0 =	sadd.s32 @!p0 $0x100000, s0  }
0xcf: {  	[sflag:s0] =	ssyncadd.tile.s32 @!p0 $0x1;
	_ =	shalt  }
.Lfunc_end2:
_tile_overlayer_lowered:
.L_overlay_start_2:
0xd0: {  	(tag) =	ssettag $0x2  }
0xd1: {  	s0 =	rddreg [dreg:$0x0];
	s2 =	stileid.u32  }
0xd2: {  	s1 =	rddreg [dreg:$0x1];
	p0 =	sne.s32 s2, $0x0  }
0xd3: {  	s3 =	rddreg [dreg:$0x2];
	[bflag:$0x3] =	sbarrier.arrive $0xFFFF;
	s2 =	simm.s32 @!p0 $0x1C0B  }
0xd4: {  	[timem:s3], [sflag:s2] =	dma.local @!p0 [hbm:s0], s1  }
0xd5: {  	s0 =	simm.s32 @!p0 $0xB  }
0xd6: {  	_ =	swait.ge @!p0 [sflag:s0], s1  }
0xd7: {  	s1 =	ssub.s32 @!p0 $0x0, s1;
	[sflag:s0] =	ssyncset.done @!p0 $0x0  }
0xd8: {  	[sflag:s0] =	ssyncadd.s32 @!p0 s1  }
0xd9: {  	[bflag:$0x3] =	sbarrier.arrive $0xFFFF  }
0xda: {  	_ =	shalt  }

// kernel: sparse-core-data-format-call.cloned.1.call-start
scs
called_computation_lowered:
.L_overlay_start_0:
0x0: {  	s2 =	sld [smem:$0x3FD9]  }
0x1: {  	s3 =	sld [smem:$0x3FFE];
	_ =	sdelay $0x1  }
0x2: {  	s1 =	srdreg.scid  }
0x3: {  	s0 =	sand.u32 $0x1, s1  }
0x4: {  	s18 =	sshll.u32 s0, $0xA;
	s2 =	sadd.s32 s3, s2  }
0x5: {  	s2 =	sadd.s32 s2, s18  }
0x6: {  	[smem:$0x3FC6] =	sst s2  }
0x7: {  	_ = 	snop  }
0x8: {  	s2 =	sld [smem:$0x3FD0];
	(tm) =	ssettm $0x1  }
0x9: {  	s19 =	sld [smem:$0x3FFB];
	_ =	sdelay $0x3  }
0xa: {  	_ =	strace s19  }
0xb: {  	s3 =	sld [smem:$0x3FFC];
	_ =	sdelay $0x3  }
0xc: {  	_ =	strace s3  }
0xd: {  	s3 =	sld [smem:$0x3FFD];
	_ =	sdelay $0x3  }
0xe: {  	_ =	strace s3  }
0xf: {  	_ =	strace $0x8FFFFFFF  }
0x10: {  	s20 =	sld [smem:$0x3FDB];
	_ =	sdelay $0x1  }
0x11: {  	s4 =	simm.s32 $_scs_section_size  }
0x12: {  	s5 =	simm.s32 $_size__tile_overlayer_lowered;
	s6 =	simm.s32 $_tile_overlayer_lowered  }
0x13: {  	s23 =	simm.s32 $0x1BFF;
	s22 =	sshll.u32 s6, $0x1;
	s3 =	sadd.s32 s4, s20  }
0x14: {  	s7 =	simm.s32 $0x0;
	s21 =	sshll.u32 s5, $0x1;
	s5 =	sadd.s32 s22, s3  }
0x15: {  	[timem:s7], [sflag:s23] =	dma.local [hbm:s5], s21  }
0x16: {  	_ =	swait.ge [sflag:s23], s21  }
0x17: {  	s4 =	ssub.s32 $0x0, s21;
	[sflag:s23] =	ssyncset.done $0x0  }
0x18: {  	[sflag:s23] =	ssyncadd.s32 s4;
	_ =	sdelay $0x1  }
0x19: {  	s24 =	simm.s32 $0x1B8B  }
0x1a: {  	_ =	swait.ge [sflag:s24], $0x1  }
0x1b: {  	[sflag:s24] =	ssyncset.done $0x0  }
0x1c: {  	s26 =	simm.s32 $0x1B8E;
	s25 =	sld [smem:$0x3FFE];
	[sflag:s24] =	ssyncadd.s32 $0xFFFFFFFF  }
0x1d: {  	s27 =	simm.s32 $execute0_lowered;
	[smem:$0x3FD2] =	sst s26  }
0x1e: {  	s5 =	sshll.u32 s27, $0x1;
	_ =	strace $0x80000049;
	[dreg:$0x1] =	wrdreg $0xFFFFFFFF  }
0x1f: {  	s28 =	simm.s32 $_size_execute0_lowered;
	s3 =	sadd.s32 s3, s5;
	[dreg:$0x0] =	wrdreg $0x0  }
0x20: {  	s5 =	sshll.u32 s28, $0x1;
	[dreg:$0x2] =	wrdreg s3  }
0x21: {  	[dreg:$0x3] =	wrdreg s5  }
0x22: {  	[dreg:$0x4] =	wrdreg $0xC0  }
0x23: {  	_ =	task [dreg:s7], $0x5FFFF  }
0x24: {  	[dreg:$0x1] =	wrdreg $0xFFFFFFFF  }
0x25: {  	[dreg:$0x0] =	wrdreg $0x60  }
0x26: {  	[dreg:$0x2] =	wrdreg s25  }
0x27: {  	[dreg:$0x3] =	wrdreg s2  }
0x28: {  	[dreg:$0x4] =	wrdreg $0x9  }
0x29: {  	_ =	task.clear_ibuf [dreg:s7], $0x5FFFF;
	_ =	strace $0x90000049  }
0x2a: {  	s29 =	simm.s32 $0x9;
	_ =	strace $0x8000004B  }
0x2b: {  	_ =	swait.ge [sflag:s29], $0x1  }
0x2c: {  	[sflag:s29] =	ssyncadd.s32 $0xFFFFFFFF  }
0x2d: {  	_ =	strace $0x9000004B  }
0x2e: {  	_ =	sfence  }
0x2f: {  	s30 =	sld [smem:$0x0];
	_ =	sdelay $0x2  }
0x30: {  	s31 =	sshll.u32 s1, $0xD;
	s1 =	sshrl.u32 s1, $0x2  }
0x31: {  	s3 =	sand.u32 $0x4000, s31;
	s1 =	sadd.s32 s1, s30  }
0x32: {  	s0 =	sor.u32 s3, s0;
	s1 =	sshll.u32 s1, $0x11  }
0x33: {  	s0 =	sor.u32 s1, s0  }
0x34: {  	s0 =	sadd.s32 $0x8F2B, s0  }
0x35: {  	[sflag:s0] =	ssyncadd.remote.s32 $0x1  }
0x36: {  	_ =	sfence.sel $0xFFFF  }
0x37: {  	[dreg:$0x0] =	wrdreg $0xFFFFFFFF;
	(pc) =	sbr.abs _section_cstart, $3  }
0x38: {  	[dreg:$0x1] =	wrdreg $0xFFFFFFFF  }
0x39: {  	_ =	task.clear_ibuf [dreg:s7], $0x2FFFF;
	_ =	strace $0x9FFFFFFF  }
0x3a: {  	(tm) =	ssettm $0x7FFFFFFF  }
0x3b: {  	_ =	shalt  }
tec
execute0_lowered:
.L_overlay_start_1:
0x0: {  	(tag) =	ssettag $0x1  }
0x1: {  	s0 =	srdreg.scid  }
0x2: {  	s1 =	sshll.u32 s0, $0x4  }
0x3: {  	s0 =	stileid.u32;
	s1 =	sand.u32 $0x10, s1  }
0x4: {  	s1 =	sor.u32 s0, s1  }
0x5: {  	s6 =	rddreg [dreg:$0x0];
	s4 =	simm.s32 $0x1;
	s2 =	sshll.u32 s1, $0x6  }
0x6: {  	s7 =	simm.s32 $0x2;
	s13 =	simm.s32 $0x0;
	s1 =	ssub.s32 $0x1000, s2  }
0x7: {  	s8 =	simm.s32 $0x2000;
	s9 =	simm.s32 $0x80000;
	s3 =	sand.u32 $0x7C0, s1  }
0x8: {  	s14 =	simm.s32 $0x0;
	s5 =	sshrl.u32 s1, $0xB;
	p0 =	sne.s32 s3, $0x0  }
.Ltmp0:
0x9: {  	s1 =	rddreg [dreg:$0x2];
	s4 =	simm.s32 @!p0 $0x0;
	(pc) =	sbr.rel .LBB1_1-.Ltmp0, $4  }
0xa: {  	s10 =	simm.s32 $0x0;
	s3 =	rddreg [dreg:$0x1];
	s5 =	sadd.s32 s4, s5  }
0xb: {  	_ =	strace $0x8000004A;
	s4 =	simm.s32 $0x1;
	s5 =	smul.u32 $0x19, s5  }
0xc: {  	s12 =	simm.s32 $0x0;
	s6 =	sadd.s32 $0x800, s6;
	[sflag:s4] =	ssyncpa.u1 $0x0  }
0xd: {  	s11 =	smov.u32 s2;
	[sflag:s7] =	ssyncpa.u1 $0x0;
	s7 =	sadd.s32 $0x1, s5  }
.LBB1_7:
0xe: {  	s15 =	sadd.s32 $0x2, s10  }
0xf: {  	s13 =	sadd.s32 $0x800, s11;
	s17 =	smov.u32 s11;
	p1 =	sgt.s32 s15, $0x31  }
0x10: {  	s17 =	smov.u32 @p1 s13  }
0x11: {  	s15 =	simm.s32 @p1 $0x0;
	p1 =	sgt.s32 s17, $0xFFF  }
0x12: {  	s17 =	smov.u32 @p1 s2;
	p1 =	sne.s32 s12, s7  }
.Ltmp1:
0x13: {  	p0 =	slt.u32 s12, $0x2;
	(pc) =	sbr.rel @!p1 .LBB1_8-.Ltmp1, $4  }
0x14: {  	s16 =	simm.s32 @!p0 $0x2  }
0x15: {  	s14 =	smov.u32 s11;
	_ =	swait.ge @!p0 [sflag:s16], $0x4000  }
0x16: {  	s13 =	smov.u32 s10;
	[sflag:s16] =	ssyncset.done @!p0 $0x0;
	s10 =	smov.u32 s15  }
0x17: {  	s12 =	sadd.s32 $0x1, s12;
	[sflag:s16] =	ssyncadd.s32 @!p0 $0xFFFFC000;
	s11 =	smov.u32 s17  }
.LBB1_1:
0x18: {  	p0 =	sge.u32 s12, s5  }
0x19: {  	s15 =	sand.u32 @!p0 $0x1FFFFFF, s10  }
0x1a: {  	s16 =	smulhi.u32 @!p0 $0x4924925, s15;
	_ =	sdelay $0x1  }
0x1b: {  	s16 =	smul.u32 @!p0 $0x38, s16  }
0x1c: {  	s17 =	sxor.u32 @!p0 $0xFFFFFFFF, s12;
	s18 =	smul.u32 @!p0 $0x380, s11  }
0x1d: {  	s31 =	sadd.s32 $0xFFFFFFFF, s12;
	s17 =	sshll.u32 @!p0 s17, $0xE;
	s15 =	ssub.s32 @!p0 s15, s16  }
0x1e: {  	s16 =	sand.u32 @!p0 $0x4000, s17;
	s17 =	sadd.s32 @!p0 s6, s18;
	s15 =	sshll.u32 @!p0 s15, $0x4  }
0x1f: {  	s18 =	simm.s32 @!p0 $0x1C00;
	s15 =	sadd.s32 @!p0 s15, s17;
	s17 =	simm.s32 @!p0 $0x100  }
0x20: {  	[tilespmem:s16], [sflag:$0x1] =	stream.strided.gather @!p0 [hbm4b:s15+s17], $0x4000, s18, s17, $0x38;
	[tilespmem:$0x10000] =	vst v63  }
0x21: {  	p0 =	sge.u32 s31, s5  }
.Ltmp2:
0x22: {  	_ = 	snop;
	(pc) =	sbr.rel @p0 .LBB1_7-.Ltmp2, $1  }
0x23: {  	_ =	sdelay $0x3  }
0x24: {  	_ =	swait.ge [sflag:s4], $0x4000;
	s15 =	sshll.u32 s12, $0xE  }
0x25: {  	[sflag:s4] =	ssyncset.done $0x0;
	s16 =	sand.u32 $0x4000, s15  }
0x26: {  	s17 =	simm.s32 $0x0;
	[sflag:s4] =	ssyncadd.s32 $0xFFFFC000;
	s15 =	sor.u32 $0x8000, s16  }
.LBB1_3:
0x27: {  	s18 =	sshll.u32 s17, $0x8  }
0x28: {  	s18 =	sand.u32 $0x3FFFFF00, s18  }
0x29: {  	s19 =	sshll.u32 s17, $0x7;
	s18 =	sadd.s32 s18, s16  }
0x2a: {  	s19 =	sand.u32 $0x3FFFFF80, s19;
	v0 =	vmov s18  }
0x2b: {  	s19 =	sadd.s32 s19, s15  }
0x2c: {  	p0 =	por $0x1, $0x1;
	v1 =	vmov s19;
	s18 =	simm.s32 $0x0  }
.LBB1_4:
0x2d: {  	s19 =	sshll.u32 s18, $0x7  }
0x2e: {  	s19 =	sand.u32 $0x3FFFFF80, s19  }
0x2f: {  	v2 =	vld.idx.msk [tilespmem:v0+s19+$0x0 ss:$0x1], $0xffff  }
0x30: {  	v3 =	vld.idx.msk [tilespmem:v0+s19+$0x10 ss:$0x1], $0xffff  }
0x31: {  	v4 =	vld.idx.msk [tilespmem:v0+s19+$0x20 ss:$0x1], $0xffff  }
0x32: {  	s31 =	sshll.u32 s18, $0xD;
	v5 =	vld.idx.msk [tilespmem:v0+s19+$0x30 ss:$0x1], $0xffff  }
0x33: {  	s18 =	sand.u32 $0x3FFFE000, s31;
	v6 =	vld.idx.msk [tilespmem:v0+s19+$0x40 ss:$0x1], $0xffff  }
0x34: {  	v63 =	vld.idx.msk [tilespmem:v0+s19+$0x70 ss:$0x1], $0xffff;
	[tilespmem:v1+s18+$0x0 ss:$0x1] =	vst.idx.msk $0xffff, v2  }
0x35: {  	v2 =	vld.idx.msk [tilespmem:v0+s19+$0x50 ss:$0x1], $0xffff;
	[tilespmem:v1+s18+$0x10 ss:$0x1] =	vst.idx.msk $0xffff, v3  }
0x36: {  	p1 =	por p0, p0;
	v3 =	vld.idx.msk [tilespmem:v0+s19+$0x60 ss:$0x1], $0xffff;
	[tilespmem:v1+s18+$0x20 ss:$0x1] =	vst.idx.msk $0xffff, v4  }
.Ltmp3:
0x37: {  	[tilespmem:v1+s18+$0x30 ss:$0x1] =	vst.idx.msk $0xffff, v5;
	(pc) =	sbr.rel @p1 .LBB1_4-.Ltmp3, $4  }
0x38: {  	[tilespmem:v1+s18+$0x40 ss:$0x1] =	vst.idx.msk $0xffff, v6  }
0x39: {  	[tilespmem:v1+s18+$0x70 ss:$0x1] =	vst.idx.msk $0xffff, v63  }
0x3a: {  	[tilespmem:v1+s18+$0x50 ss:$0x1] =	vst.idx.msk $0xffff, v2  }
0x3b: {  	p0 =	por $0x0, $0x0;
	[tilespmem:v1+s18+$0x60 ss:$0x1] =	vst.idx.msk $0xffff, v3;
	s18 =	simm.s32 $0x1  }
0x3c: {  	s17 =	sadd.s32 $0x1, s17  }
0x3d: {  	p0 =	sne.s32 s17, $0x40  }
.Ltmp4:
0x3e: {  	_ = 	snop;
	(pc) =	sbr.rel @p0 .LBB1_3-.Ltmp4, $1  }
0x3f: {  	_ =	sdelay $0x3  }
.Ltmp5:
0x40: {  	s14 =	sshll.u32 s14, $0x4;
	(pc) =	sbr.rel .LBB1_7-.Ltmp5, $4  }
0x41: {  	s14 =	sand.u32 $0xFFF0, s14  }
0x42: {  	s13 =	sshll.u32 s13, $0x10;
	s14 =	sadd.s32 s3, s14  }
0x43: {  	s13 =	sadd.s32 s13, s14  }
0x44: {  	[hbm4b:s13+s8] =	stream.strided.scatter [tilespmem:s15], [sflag:$0x2], $0x4000, s9, s8, $0x38;
	[tilespmem:$0x10000] =	vst v63  }
.LBB1_8:
0x45: {  	_ =	sfence.sel $0x180000  }
0x46: {  	s2 =	simm.s32 $0x1;
	[bflag:$0x0] =	sbarrier.arrive $0xFFFF  }
0x47: {  	s31 =	simm.s32 $0x2;
	[sflag:s2] =	ssyncpa.u1 $0x1  }
0x48: {  	[sflag:s31] =	ssyncpa.u1 $0x1  }
0x49: {  	p0 =	sne.s32 s0, $0x0;
	_ =	strace $0x9000004A  }
0x4a: {  	s0 =	sadd.s32 @!p0 $0x100000, s1;
	[bflag:$0x2] =	sbarrier.arrive $0xFFFF  }
0x4b: {  	[sflag:s0] =	ssyncadd.tile.s32 @!p0 $0x1;
	_ =	shalt  }
.Lfunc_end1:
_tile_overlayer_lowered:
.L_overlay_start_2:
0x4c: {  	(tag) =	ssettag $0x2  }
0x4d: {  	s0 =	rddreg [dreg:$0x0];
	s2 =	stileid.u32  }
0x4e: {  	s1 =	rddreg [dreg:$0x1];
	p0 =	sne.s32 s2, $0x0  }
0x4f: {  	s3 =	rddreg [dreg:$0x2];
	[bflag:$0x3] =	sbarrier.arrive $0xFFFF;
	s2 =	simm.s32 @!p0 $0x1C01  }
0x50: {  	[timem:s3], [sflag:s2] =	dma.local @!p0 [hbm:s0], s1  }
0x51: {  	s0 =	simm.s32 @!p0 $0x1  }
0x52: {  	_ =	swait.ge @!p0 [sflag:s0], s1  }
0x53: {  	s1 =	ssub.s32 @!p0 $0x0, s1;
	[sflag:s0] =	ssyncset.done @!p0 $0x0  }
0x54: {  	[sflag:s0] =	ssyncadd.s32 @!p0 s1  }
0x55: {  	[bflag:$0x3] =	sbarrier.arrive $0xFFFF  }
0x56: {  	_ =	shalt  }

</sc_bundles>
